<compile_context>
chip_gen: v7x
topology: tpu7x:2x2x1
jax: 0.10.2.dev20260603
libtpu: 0.0.44.dev20260713+nightly
codegen_flags: <defaults>
</compile_context>

<pallas_src>
import jax
import jax.numpy as jnp
from jax import lax
from jax.experimental import pallas as pl
from jax.experimental.pallas import tpu as pltpu
from jax.experimental.pallas import tpu_sc as plsc
from jax.experimental import compute_on

_EMBED = 128


_TC_CHUNK = 12500
_TC_SLOTS = 4


def _tc_pipeline(src, dst, *scratch):
    bufs = scratch[:_TC_SLOTS]
    sins = scratch[_TC_SLOTS:2 * _TC_SLOTS]
    souts = scratch[2 * _TC_SLOTS:]
    n = src.shape[0] // _TC_CHUNK
    depth = _TC_SLOTS // 2

    def in_copy(i):
        return pltpu.make_async_copy(
            src.at[pl.ds(i * _TC_CHUNK, _TC_CHUNK), :],
            bufs[i % _TC_SLOTS],
            sins[i % _TC_SLOTS],
        )

    def out_copy(i):
        return pltpu.make_async_copy(
            bufs[i % _TC_SLOTS],
            dst.at[pl.ds(i * _TC_CHUNK, _TC_CHUNK), :],
            souts[i % _TC_SLOTS],
        )

    for i in range(min(depth, n)):
        in_copy(i).start()
    for i in range(n):
        j = i + depth
        if j < n:
            if j - _TC_SLOTS >= 0:
                out_copy(j - _TC_SLOTS).wait()
            in_copy(j).start()
        in_copy(i).wait()
        out_copy(i).start()
    for i in range(max(0, n - 2 * depth), n):
        out_copy(i).wait()


def _tc_copy(x):
    return pl.pallas_call(
        _tc_pipeline,
        in_specs=[pl.BlockSpec(memory_space=pltpu.MemorySpace.HBM)],
        out_specs=pl.BlockSpec(memory_space=pltpu.MemorySpace.HBM),
        out_shape=jax.ShapeDtypeStruct(x.shape, x.dtype),
        scratch_shapes=(
            [pltpu.VMEM((_TC_CHUNK, _EMBED), jnp.float32)] * _TC_SLOTS
            + [pltpu.SemaphoreType.DMA] * (2 * _TC_SLOTS)
        ),
    )(x)



_SC_ROWS_W = 2000
_SC_CHUNK = 200
_SC_NCHUNK = _SC_ROWS_W // _SC_CHUNK
_SC_TABLES = ((0, 25), (25, 5))


def _sc_worker_copy(src, dst, wid, wstart, bufs, sems):
    base = (wid - wstart) * _SC_ROWS_W

    def in_copy(k):
        return pltpu.make_async_copy(
            src.at[pl.ds(base + k * _SC_CHUNK, _SC_CHUNK), :],
            bufs[k % 2],
            sems[k % 2],
        )

    def out_copy(k):
        return pltpu.make_async_copy(
            bufs[k % 2],
            dst.at[pl.ds(base + k * _SC_CHUNK, _SC_CHUNK), :],
            sems[2 + (k % 2)],
        )

    in_copy(0).start()
    for k in range(_SC_NCHUNK):
        if k + 1 < _SC_NCHUNK:
            if k >= 1:
                out_copy(k - 1).wait()
            in_copy(k + 1).start()
        in_copy(k).wait()
        out_copy(k).start()
    if _SC_NCHUNK >= 2:
        out_copy(_SC_NCHUNK - 2).wait()
    out_copy(_SC_NCHUNK - 1).wait()


def _sc_body(a_in, f_in, a_out, f_out, buf0, buf1, s0, s1, s2, s3):
    wid = lax.axis_index("s") * 2 + lax.axis_index("c")
    bufs = (buf0, buf1)
    sems = (s0, s1, s2, s3)
    srcs = (a_in, f_in)
    dsts = (a_out, f_out)
    for t, (wstart, nworkers) in enumerate(_SC_TABLES):
        @pl.when(jnp.logical_and(wid >= wstart, wid < wstart + nworkers))
        def _(t=t, wstart=wstart):
            _sc_worker_copy(srcs[t], dsts[t], wid, wstart, bufs, sems)


def _sc_copy(author, field):
    mesh = plsc.VectorSubcoreMesh(core_axis_name="c", subcore_axis_name="s")
    run = pl.kernel(
        _sc_body,
        out_type=(
            jax.ShapeDtypeStruct(author.shape, author.dtype),
            jax.ShapeDtypeStruct(field.shape, field.dtype),
        ),
        mesh=mesh,
        scratch_types=[
            pltpu.VMEM((_SC_CHUNK, _EMBED), jnp.float32),
            pltpu.VMEM((_SC_CHUNK, _EMBED), jnp.float32),
            pltpu.SemaphoreType.DMA,
            pltpu.SemaphoreType.DMA,
            pltpu.SemaphoreType.DMA,
            pltpu.SemaphoreType.DMA,
        ],
    )
    with compute_on.compute_on("tpu_sparsecore"):
        return run(author, field)


def kernel(embed_paper, embed_author, embed_field):
    author_out, field_out = _sc_copy(embed_author, embed_field)
    paper_out = _tc_copy(embed_paper)
    return (paper_out, author_out, field_out)

# --- scband reference (transcript-rebuilt; emitter-appended) ---
"""Pipeline reference for scband-hetero-embed-layer-59244778881478 (READ-ONLY COPY).

The authoritative reference and input builder live on the scoring server;
editing this copy changes nothing except your own understanding.
"""

import jax, jax.numpy as jnp
import numpy as np

N_NODES = {"paper": 100000, "author": 50000, "field": 10000}
EMBED = 128


def _xavier_uniform(key, shape, gain):
    fan_in, fan_out = shape[0], shape[1]
    a = gain * np.sqrt(6.0 / (fan_in + fan_out))
    return jax.random.uniform(key, shape, minval=-a, maxval=a, dtype=jnp.float32)


def setup_inputs(seed: int = 0) -> dict:
    key = jax.random.key(seed)
    gain = np.sqrt(2.0)  # nn.init.calculate_gain('relu')
    inp = {}
    for i, (ntype, n) in enumerate(N_NODES.items()):
        inp[f"embed_{ntype}"] = _xavier_uniform(jax.random.fold_in(key, i), (n, EMBED), gain)
    return inp


def reference(embed_paper, embed_author, embed_field):
    # HeteroEmbedLayer.forward simply returns the ParameterDict of per-ntype
    # embedding tables (block arg is unused in this implementation).
    # Faithful translation: return the tuple of tables in ntype order.
    return (embed_paper, embed_author, embed_field)

if __name__ == "__main__":
    import jax
    _d = setup_inputs()
    print(jax.jit(kernel)(*tuple(_d.values())))

</pallas_src>

<mosaic_0001>
#map = affine_map<(d0, d1) -> (0, 0)>
module attributes {stable_mosaic.version = 14 : i64} {
  func.func @_sc_body(%arg0: i32, %arg1: i32, %arg2: memref<50000x128xf32, #tpu.memory_space<hbm>>, %arg3: memref<10000x128xf32, #tpu.memory_space<hbm>>, %arg4: memref<50000x128xf32, #tpu.memory_space<hbm>>, %arg5: memref<10000x128xf32, #tpu.memory_space<hbm>>, %arg6: memref<200x128xf32, #tpu.memory_space<vmem>>, %arg7: memref<200x128xf32, #tpu.memory_space<vmem>>, %arg8: memref<!tpu.dma_semaphore, #tpu.memory_space<semaphore_mem>>, %arg9: memref<!tpu.dma_semaphore, #tpu.memory_space<semaphore_mem>>, %arg10: memref<!tpu.dma_semaphore, #tpu.memory_space<semaphore_mem>>, %arg11: memref<!tpu.dma_semaphore, #tpu.memory_space<semaphore_mem>>) attributes {dimension_semantics = [#tpu.dimension_semantics<core_parallel>, #tpu.dimension_semantics<subcore_parallel>], iteration_bounds = array<i64: 2, 16>, scalar_prefetch = 0 : i64, scratch_operands = 6 : i64, tpu.core_type = #tpu.core_type<sc_vector_subcore>, window_params = [{transform_indices = #map}, {transform_indices = #map}, {transform_indices = #map}, {transform_indices = #map}]} {
    %mul3A = arith.constant 2 : i32
    %mul3A_0 = arith.muli %arg1, %mul3A : i32
    %add3A = arith.addi %mul3A_0, %arg0 : i32
    %ge3A = arith.constant 0 : i32
    %ge3A_1 = arith.cmpi sge, %add3A, %ge3A : i32
    %lt3A = arith.constant 25 : i32
    %lt3A_2 = arith.cmpi slt, %add3A, %lt3A : i32
    %and3A = arith.andi %ge3A_1, %lt3A_2 : i1
    %convert_element_type3A = arith.extui %and3A : i1 to i32
    %cond3A = arith.constant 0 : i32
    %cond3A_3 = arith.cmpi ne, %convert_element_type3A, %cond3A : i32
    scf.if %cond3A_3 {
      %sub3A = arith.constant 0 : i32
      %sub3A_12 = arith.subi %add3A, %sub3A : i32
      %mul3A_13 = arith.constant 2000 : i32
      %mul3A_14 = arith.muli %sub3A_12, %mul3A_13 : i32
      %add3A_15 = arith.constant 0 : i32
      %add3A_16 = arith.addi %mul3A_14, %add3A_15 : i32
      %dma_start3A = arith.constant 0 : i32
      %dma_start3A_17 = tpu.memref_slice %arg2[%add3A_16, %dma_start3A] : memref<50000x128xf32, #tpu.memory_space<hbm>> -> memref<200x128xf32, #tpu.memory_space<hbm>>
      %dma_start3A_18 = arith.constant 0 : i32
      %dma_start3A_19 = tpu.memref_slice %arg2[%add3A_16, %dma_start3A_18] : memref<50000x128xf32, #tpu.memory_space<hbm>> -> memref<200x128xf32, #tpu.memory_space<hbm>>
      tpu.enqueue_dma source(%dma_start3A_19 : memref<200x128xf32, #tpu.memory_space<hbm>>) target(%arg6 : memref<200x128xf32, #tpu.memory_space<vmem>>) target_semaphore(%arg8 : memref<!tpu.dma_semaphore, #tpu.memory_space<semaphore_mem>>)
      %add3A_20 = arith.constant 200 : i32
      %add3A_21 = arith.addi %mul3A_14, %add3A_20 : i32
      %dma_start3A_22 = arith.constant 0 : i32
      %dma_start3A_23 = tpu.memref_slice %arg2[%add3A_21, %dma_start3A_22] : memref<50000x128xf32, #tpu.memory_space<hbm>> -> memref<200x128xf32, #tpu.memory_space<hbm>>
      %dma_start3A_24 = arith.constant 0 : i32
      %dma_start3A_25 = tpu.memref_slice %arg2[%add3A_21, %dma_start3A_24] : memref<50000x128xf32, #tpu.memory_space<hbm>> -> memref<200x128xf32, #tpu.memory_space<hbm>>
      tpu.enqueue_dma source(%dma_start3A_25 : memref<200x128xf32, #tpu.memory_space<hbm>>) target(%arg7 : memref<200x128xf32, #tpu.memory_space<vmem>>) target_semaphore(%arg9 : memref<!tpu.dma_semaphore, #tpu.memory_space<semaphore_mem>>)
      %add3A_26 = arith.constant 0 : i32
      %add3A_27 = arith.addi %mul3A_14, %add3A_26 : i32
      %dma_wait3A = arith.constant 0 : i32
      %dma_wait3A_28 = tpu.memref_slice %arg2[%add3A_27, %dma_wait3A] : memref<50000x128xf32, #tpu.memory_space<hbm>> -> memref<200x128xf32, #tpu.memory_space<hbm>>
      %dma_wait3A_29 = arith.constant 0 : i32
      %dma_wait3A_30 = tpu.memref_slice %arg2[%add3A_27, %dma_wait3A_29] : memref<50000x128xf32, #tpu.memory_space<hbm>> -> memref<200x128xf32, #tpu.memory_space<hbm>>
      tpu.wait_dma2 semaphore(%arg8 : memref<!tpu.dma_semaphore, #tpu.memory_space<semaphore_mem>>) src(%dma_wait3A_30 : memref<200x128xf32, #tpu.memory_space<hbm>>) dst(%arg6 : memref<200x128xf32, #tpu.memory_space<vmem>>)
      %add3A_31 = arith.constant 0 : i32
      %add3A_32 = arith.addi %mul3A_14, %add3A_31 : i32
      %dma_start3A_33 = arith.constant 0 : i32
      %dma_start3A_34 = tpu.memref_slice %arg4[%add3A_32, %dma_start3A_33] : memref<50000x128xf32, #tpu.memory_space<hbm>> -> memref<200x128xf32, #tpu.memory_space<hbm>>
      %dma_start3A_35 = arith.constant 0 : i32
      %dma_start3A_36 = tpu.memref_slice %arg4[%add3A_32, %dma_start3A_35] : memref<50000x128xf32, #tpu.memory_space<hbm>> -> memref<200x128xf32, #tpu.memory_space<hbm>>
      tpu.enqueue_dma source(%arg6 : memref<200x128xf32, #tpu.memory_space<vmem>>) target(%dma_start3A_36 : memref<200x128xf32, #tpu.memory_space<hbm>>) target_semaphore(%arg10 : memref<!tpu.dma_semaphore, #tpu.memory_space<semaphore_mem>>)
      %add3A_37 = arith.constant 0 : i32
      %add3A_38 = arith.addi %mul3A_14, %add3A_37 : i32
      %dma_wait3A_39 = arith.constant 0 : i32
      %dma_wait3A_40 = tpu.memref_slice %arg4[%add3A_38, %dma_wait3A_39] : memref<50000x128xf32, #tpu.memory_space<hbm>> -> memref<200x128xf32, #tpu.memory_space<hbm>>
      %dma_wait3A_41 = arith.constant 0 : i32
      %dma_wait3A_42 = tpu.memref_slice %arg4[%add3A_38, %dma_wait3A_41] : memref<50000x128xf32, #tpu.memory_space<hbm>> -> memref<200x128xf32, #tpu.memory_space<hbm>>
      tpu.wait_dma2 semaphore(%arg10 : memref<!tpu.dma_semaphore, #tpu.memory_space<semaphore_mem>>) src(%arg6 : memref<200x128xf32, #tpu.memory_space<vmem>>) dst(%dma_wait3A_42 : memref<200x128xf32, #tpu.memory_space<hbm>>)
      %add3A_43 = arith.constant 400 : i32
      %add3A_44 = arith.addi %mul3A_14, %add3A_43 : i32
      %dma_start3A_45 = arith.constant 0 : i32
      %dma_start3A_46 = tpu.memref_slice %arg2[%add3A_44, %dma_start3A_45] : memref<50000x128xf32, #tpu.memory_space<hbm>> -> memref<200x128xf32, #tpu.memory_space<hbm>>
      %dma_start3A_47 = arith.constant 0 : i32
      %dma_start3A_48 = tpu.memref_slice %arg2[%add3A_44, %dma_start3A_47] : memref<50000x128xf32, #tpu.memory_space<hbm>> -> memref<200x128xf32, #tpu.memory_space<hbm>>
      tpu.enqueue_dma source(%dma_start3A_48 : memref<200x128xf32, #tpu.memory_space<hbm>>) target(%arg6 : memref<200x128xf32, #tpu.memory_space<vmem>>) target_semaphore(%arg8 : memref<!tpu.dma_semaphore, #tpu.memory_space<semaphore_mem>>)
      %add3A_49 = arith.constant 200 : i32
      %add3A_50 = arith.addi %mul3A_14, %add3A_49 : i32
      %dma_wait3A_51 = arith.constant 0 : i32
      %dma_wait3A_52 = tpu.memref_slice %arg2[%add3A_50, %dma_wait3A_51] : memref<50000x128xf32, #tpu.memory_space<hbm>> -> memref<200x128xf32, #tpu.memory_space<hbm>>
      %dma_wait3A_53 = arith.constant 0 : i32
      %dma_wait3A_54 = tpu.memref_slice %arg2[%add3A_50, %dma_wait3A_53] : memref<50000x128xf32, #tpu.memory_space<hbm>> -> memref<200x128xf32, #tpu.memory_space<hbm>>
      tpu.wait_dma2 semaphore(%arg9 : memref<!tpu.dma_semaphore, #tpu.memory_space<semaphore_mem>>) src(%dma_wait3A_54 : memref<200x128xf32, #tpu.memory_space<hbm>>) dst(%arg7 : memref<200x128xf32, #tpu.memory_space<vmem>>)
      %add3A_55 = arith.constant 200 : i32
      %add3A_56 = arith.addi %mul3A_14, %add3A_55 : i32
      %dma_start3A_57 = arith.constant 0 : i32
      %dma_start3A_58 = tpu.memref_slice %arg4[%add3A_56, %dma_start3A_57] : memref<50000x128xf32, #tpu.memory_space<hbm>> -> memref<200x128xf32, #tpu.memory_space<hbm>>
      %dma_start3A_59 = arith.constant 0 : i32
      %dma_start3A_60 = tpu.memref_slice %arg4[%add3A_56, %dma_start3A_59] : memref<50000x128xf32, #tpu.memory_space<hbm>> -> memref<200x128xf32, #tpu.memory_space<hbm>>
      tpu.enqueue_dma source(%arg7 : memref<200x128xf32, #tpu.memory_space<vmem>>) target(%dma_start3A_60 : memref<200x128xf32, #tpu.memory_space<hbm>>) target_semaphore(%arg11 : memref<!tpu.dma_semaphore, #tpu.memory_space<semaphore_mem>>)
      %add3A_61 = arith.constant 200 : i32
      %add3A_62 = arith.addi %mul3A_14, %add3A_61 : i32
      %dma_wait3A_63 = arith.constant 0 : i32
      %dma_wait3A_64 = tpu.memref_slice %arg4[%add3A_62, %dma_wait3A_63] : memref<50000x128xf32, #tpu.memory_space<hbm>> -> memref<200x128xf32, #tpu.memory_space<hbm>>
      %dma_wait3A_65 = arith.constant 0 : i32
      %dma_wait3A_66 = tpu.memref_slice %arg4[%add3A_62, %dma_wait3A_65] : memref<50000x128xf32, #tpu.memory_space<hbm>> -> memref<200x128xf32, #tpu.memory_space<hbm>>
      tpu.wait_dma2 semaphore(%arg11 : memref<!tpu.dma_semaphore, #tpu.memory_space<semaphore_mem>>) src(%arg7 : memref<200x128xf32, #tpu.memory_space<vmem>>) dst(%dma_wait3A_66 : memref<200x128xf32, #tpu.memory_space<hbm>>)
      %add3A_67 = arith.constant 600 : i32
      %add3A_68 = arith.addi %mul3A_14, %add3A_67 : i32
      %dma_start3A_69 = arith.constant 0 : i32
      %dma_start3A_70 = tpu.memref_slice %arg2[%add3A_68, %dma_start3A_69] : memref<50000x128xf32, #tpu.memory_space<hbm>> -> memref<200x128xf32, #tpu.memory_space<hbm>>
      %dma_start3A_71 = arith.constant 0 : i32
      %dma_start3A_72 = tpu.memref_slice %arg2[%add3A_68, %dma_start3A_71] : memref<50000x128xf32, #tpu.memory_space<hbm>> -> memref<200x128xf32, #tpu.memory_space<hbm>>
      tpu.enqueue_dma source(%dma_start3A_72 : memref<200x128xf32, #tpu.memory_space<hbm>>) target(%arg7 : memref<200x128xf32, #tpu.memory_space<vmem>>) target_semaphore(%arg9 : memref<!tpu.dma_semaphore, #tpu.memory_space<semaphore_mem>>)
      %add3A_73 = arith.constant 400 : i32
      %add3A_74 = arith.addi %mul3A_14, %add3A_73 : i32
      %dma_wait3A_75 = arith.constant 0 : i32
      %dma_wait3A_76 = tpu.memref_slice %arg2[%add3A_74, %dma_wait3A_75] : memref<50000x128xf32, #tpu.memory_space<hbm>> -> memref<200x128xf32, #tpu.memory_space<hbm>>
      %dma_wait3A_77 = arith.constant 0 : i32
      %dma_wait3A_78 = tpu.memref_slice %arg2[%add3A_74, %dma_wait3A_77] : memref<50000x128xf32, #tpu.memory_space<hbm>> -> memref<200x128xf32, #tpu.memory_space<hbm>>
      tpu.wait_dma2 semaphore(%arg8 : memref<!tpu.dma_semaphore, #tpu.memory_space<semaphore_mem>>) src(%dma_wait3A_78 : memref<200x128xf32, #tpu.memory_space<hbm>>) dst(%arg6 : memref<200x128xf32, #tpu.memory_space<vmem>>)
      %add3A_79 = arith.constant 400 : i32
      %add3A_80 = arith.addi %mul3A_14, %add3A_79 : i32
      %dma_start3A_81 = arith.constant 0 : i32
      %dma_start3A_82 = tpu.memref_slice %arg4[%add3A_80, %dma_start3A_81] : memref<50000x128xf32, #tpu.memory_space<hbm>> -> memref<200x128xf32, #tpu.memory_space<hbm>>
      %dma_start3A_83 = arith.constant 0 : i32
      %dma_start3A_84 = tpu.memref_slice %arg4[%add3A_80, %dma_start3A_83] : memref<50000x128xf32, #tpu.memory_space<hbm>> -> memref<200x128xf32, #tpu.memory_space<hbm>>
      tpu.enqueue_dma source(%arg6 : memref<200x128xf32, #tpu.memory_space<vmem>>) target(%dma_start3A_84 : memref<200x128xf32, #tpu.memory_space<hbm>>) target_semaphore(%arg10 : memref<!tpu.dma_semaphore, #tpu.memory_space<semaphore_mem>>)
      %add3A_85 = arith.constant 400 : i32
      %add3A_86 = arith.addi %mul3A_14, %add3A_85 : i32
      %dma_wait3A_87 = arith.constant 0 : i32
      %dma_wait3A_88 = tpu.memref_slice %arg4[%add3A_86, %dma_wait3A_87] : memref<50000x128xf32, #tpu.memory_space<hbm>> -> memref<200x128xf32, #tpu.memory_space<hbm>>
      %dma_wait3A_89 = arith.constant 0 : i32
      %dma_wait3A_90 = tpu.memref_slice %arg4[%add3A_86, %dma_wait3A_89] : memref<50000x128xf32, #tpu.memory_space<hbm>> -> memref<200x128xf32, #tpu.memory_space<hbm>>
      tpu.wait_dma2 semaphore(%arg10 : memref<!tpu.dma_semaphore, #tpu.memory_space<semaphore_mem>>) src(%arg6 : memref<200x128xf32, #tpu.memory_space<vmem>>) dst(%dma_wait3A_90 : memref<200x128xf32, #tpu.memory_space<hbm>>)
      %add3A_91 = arith.constant 800 : i32
      %add3A_92 = arith.addi %mul3A_14, %add3A_91 : i32
      %dma_start3A_93 = arith.constant 0 : i32
      %dma_start3A_94 = tpu.memref_slice %arg2[%add3A_92, %dma_start3A_93] : memref<50000x128xf32, #tpu.memory_space<hbm>> -> memref<200x128xf32, #tpu.memory_space<hbm>>
      %dma_start3A_95 = arith.constant 0 : i32
      %dma_start3A_96 = tpu.memref_slice %arg2[%add3A_92, %dma_start3A_95] : memref<50000x128xf32, #tpu.memory_space<hbm>> -> memref<200x128xf32, #tpu.memory_space<hbm>>
      tpu.enqueue_dma source(%dma_start3A_96 : memref<200x128xf32, #tpu.memory_space<hbm>>) target(%arg6 : memref<200x128xf32, #tpu.memory_space<vmem>>) target_semaphore(%arg8 : memref<!tpu.dma_semaphore, #tpu.memory_space<semaphore_mem>>)
      %add3A_97 = arith.constant 600 : i32
      %add3A_98 = arith.addi %mul3A_14, %add3A_97 : i32
      %dma_wait3A_99 = arith.constant 0 : i32
      %dma_wait3A_100 = tpu.memref_slice %arg2[%add3A_98, %dma_wait3A_99] : memref<50000x128xf32, #tpu.memory_space<hbm>> -> memref<200x128xf32, #tpu.memory_space<hbm>>
      %dma_wait3A_101 = arith.constant 0 : i32
      %dma_wait3A_102 = tpu.memref_slice %arg2[%add3A_98, %dma_wait3A_101] : memref<50000x128xf32, #tpu.memory_space<hbm>> -> memref<200x128xf32, #tpu.memory_space<hbm>>
      tpu.wait_dma2 semaphore(%arg9 : memref<!tpu.dma_semaphore, #tpu.memory_space<semaphore_mem>>) src(%dma_wait3A_102 : memref<200x128xf32, #tpu.memory_space<hbm>>) dst(%arg7 : memref<200x128xf32, #tpu.memory_space<vmem>>)
      %add3A_103 = arith.constant 600 : i32
      %add3A_104 = arith.addi %mul3A_14, %add3A_103 : i32
      %dma_start3A_105 = arith.constant 0 : i32
      %dma_start3A_106 = tpu.memref_slice %arg4[%add3A_104, %dma_start3A_105] : memref<50000x128xf32, #tpu.memory_space<hbm>> -> memref<200x128xf32, #tpu.memory_space<hbm>>
      %dma_start3A_107 = arith.constant 0 : i32
      %dma_start3A_108 = tpu.memref_slice %arg4[%add3A_104, %dma_start3A_107] : memref<50000x128xf32, #tpu.memory_space<hbm>> -> memref<200x128xf32, #tpu.memory_space<hbm>>
      tpu.enqueue_dma source(%arg7 : memref<200x128xf32, #tpu.memory_space<vmem>>) target(%dma_start3A_108 : memref<200x128xf32, #tpu.memory_space<hbm>>) target_semaphore(%arg11 : memref<!tpu.dma_semaphore, #tpu.memory_space<semaphore_mem>>)
      %add3A_109 = arith.constant 600 : i32
      %add3A_110 = arith.addi %mul3A_14, %add3A_109 : i32
      %dma_wait3A_111 = arith.constant 0 : i32
      %dma_wait3A_112 = tpu.memref_slice %arg4[%add3A_110, %dma_wait3A_111] : memref<50000x128xf32, #tpu.memory_space<hbm>> -> memref<200x128xf32, #tpu.memory_space<hbm>>
      %dma_wait3A_113 = arith.constant 0 : i32
      %dma_wait3A_114 = tpu.memref_slice %arg4[%add3A_110, %dma_wait3A_113] : memref<50000x128xf32, #tpu.memory_space<hbm>> -> memref<200x128xf32, #tpu.memory_space<hbm>>
      tpu.wait_dma2 semaphore(%arg11 : memref<!tpu.dma_semaphore, #tpu.memory_space<semaphore_mem>>) src(%arg7 : memref<200x128xf32, #tpu.memory_space<vmem>>) dst(%dma_wait3A_114 : memref<200x128xf32, #tpu.memory_space<hbm>>)
      %add3A_115 = arith.constant 1000 : i32
      %add3A_116 = arith.addi %mul3A_14, %add3A_115 : i32
      %dma_start3A_117 = arith.constant 0 : i32
      %dma_start3A_118 = tpu.memref_slice %arg2[%add3A_116, %dma_start3A_117] : memref<50000x128xf32, #tpu.memory_space<hbm>> -> memref<200x128xf32, #tpu.memory_space<hbm>>
      %dma_start3A_119 = arith.constant 0 : i32
      %dma_start3A_120 = tpu.memref_slice %arg2[%add3A_116, %dma_start3A_119] : memref<50000x128xf32, #tpu.memory_space<hbm>> -> memref<200x128xf32, #tpu.memory_space<hbm>>
      tpu.enqueue_dma source(%dma_start3A_120 : memref<200x128xf32, #tpu.memory_space<hbm>>) target(%arg7 : memref<200x128xf32, #tpu.memory_space<vmem>>) target_semaphore(%arg9 : memref<!tpu.dma_semaphore, #tpu.memory_space<semaphore_mem>>)
      %add3A_121 = arith.constant 800 : i32
      %add3A_122 = arith.addi %mul3A_14, %add3A_121 : i32
      %dma_wait3A_123 = arith.constant 0 : i32
      %dma_wait3A_124 = tpu.memref_slice %arg2[%add3A_122, %dma_wait3A_123] : memref<50000x128xf32, #tpu.memory_space<hbm>> -> memref<200x128xf32, #tpu.memory_space<hbm>>
      %dma_wait3A_125 = arith.constant 0 : i32
      %dma_wait3A_126 = tpu.memref_slice %arg2[%add3A_122, %dma_wait3A_125] : memref<50000x128xf32, #tpu.memory_space<hbm>> -> memref<200x128xf32, #tpu.memory_space<hbm>>
      tpu.wait_dma2 semaphore(%arg8 : memref<!tpu.dma_semaphore, #tpu.memory_space<semaphore_mem>>) src(%dma_wait3A_126 : memref<200x128xf32, #tpu.memory_space<hbm>>) dst(%arg6 : memref<200x128xf32, #tpu.memory_space<vmem>>)
      %add3A_127 = arith.constant 800 : i32
      %add3A_128 = arith.addi %mul3A_14, %add3A_127 : i32
      %dma_start3A_129 = arith.constant 0 : i32
      %dma_start3A_130 = tpu.memref_slice %arg4[%add3A_128, %dma_start3A_129] : memref<50000x128xf32, #tpu.memory_space<hbm>> -> memref<200x128xf32, #tpu.memory_space<hbm>>
      %dma_start3A_131 = arith.constant 0 : i32
      %dma_start3A_132 = tpu.memref_slice %arg4[%add3A_128, %dma_start3A_131] : memref<50000x128xf32, #tpu.memory_space<hbm>> -> memref<200x128xf32, #tpu.memory_space<hbm>>
      tpu.enqueue_dma source(%arg6 : memref<200x128xf32, #tpu.memory_space<vmem>>) target(%dma_start3A_132 : memref<200x128xf32, #tpu.memory_space<hbm>>) target_semaphore(%arg10 : memref<!tpu.dma_semaphore, #tpu.memory_space<semaphore_mem>>)
      %add3A_133 = arith.constant 800 : i32
      %add3A_134 = arith.addi %mul3A_14, %add3A_133 : i32
      %dma_wait3A_135 = arith.constant 0 : i32
      %dma_wait3A_136 = tpu.memref_slice %arg4[%add3A_134, %dma_wait3A_135] : memref<50000x128xf32, #tpu.memory_space<hbm>> -> memref<200x128xf32, #tpu.memory_space<hbm>>
      %dma_wait3A_137 = arith.constant 0 : i32
      %dma_wait3A_138 = tpu.memref_slice %arg4[%add3A_134, %dma_wait3A_137] : memref<50000x128xf32, #tpu.memory_space<hbm>> -> memref<200x128xf32, #tpu.memory_space<hbm>>
      tpu.wait_dma2 semaphore(%arg10 : memref<!tpu.dma_semaphore, #tpu.memory_space<semaphore_mem>>) src(%arg6 : memref<200x128xf32, #tpu.memory_space<vmem>>) dst(%dma_wait3A_138 : memref<200x128xf32, #tpu.memory_space<hbm>>)
      %add3A_139 = arith.constant 1200 : i32
      %add3A_140 = arith.addi %mul3A_14, %add3A_139 : i32
      %dma_start3A_141 = arith.constant 0 : i32
      %dma_start3A_142 = tpu.memref_slice %arg2[%add3A_140, %dma_start3A_141] : memref<50000x128xf32, #tpu.memory_space<hbm>> -> memref<200x128xf32, #tpu.memory_space<hbm>>
      %dma_start3A_143 = arith.constant 0 : i32
      %dma_start3A_144 = tpu.memref_slice %arg2[%add3A_140, %dma_start3A_143] : memref<50000x128xf32, #tpu.memory_space<hbm>> -> memref<200x128xf32, #tpu.memory_space<hbm>>
      tpu.enqueue_dma source(%dma_start3A_144 : memref<200x128xf32, #tpu.memory_space<hbm>>) target(%arg6 : memref<200x128xf32, #tpu.memory_space<vmem>>) target_semaphore(%arg8 : memref<!tpu.dma_semaphore, #tpu.memory_space<semaphore_mem>>)
      %add3A_145 = arith.constant 1000 : i32
      %add3A_146 = arith.addi %mul3A_14, %add3A_145 : i32
      %dma_wait3A_147 = arith.constant 0 : i32
      %dma_wait3A_148 = tpu.memref_slice %arg2[%add3A_146, %dma_wait3A_147] : memref<50000x128xf32, #tpu.memory_space<hbm>> -> memref<200x128xf32, #tpu.memory_space<hbm>>
      %dma_wait3A_149 = arith.constant 0 : i32
      %dma_wait3A_150 = tpu.memref_slice %arg2[%add3A_146, %dma_wait3A_149] : memref<50000x128xf32, #tpu.memory_space<hbm>> -> memref<200x128xf32, #tpu.memory_space<hbm>>
      tpu.wait_dma2 semaphore(%arg9 : memref<!tpu.dma_semaphore, #tpu.memory_space<semaphore_mem>>) src(%dma_wait3A_150 : memref<200x128xf32, #tpu.memory_space<hbm>>) dst(%arg7 : memref<200x128xf32, #tpu.memory_space<vmem>>)
      %add3A_151 = arith.constant 1000 : i32
      %add3A_152 = arith.addi %mul3A_14, %add3A_151 : i32
      %dma_start3A_153 = arith.constant 0 : i32
      %dma_start3A_154 = tpu.memref_slice %arg4[%add3A_152, %dma_start3A_153] : memref<50000x128xf32, #tpu.memory_space<hbm>> -> memref<200x128xf32, #tpu.memory_space<hbm>>
      %dma_start3A_155 = arith.constant 0 : i32
      %dma_start3A_156 = tpu.memref_slice %arg4[%add3A_152, %dma_start3A_155] : memref<50000x128xf32, #tpu.memory_space<hbm>> -> memref<200x128xf32, #tpu.memory_space<hbm>>
      tpu.enqueue_dma source(%arg7 : memref<200x128xf32, #tpu.memory_space<vmem>>) target(%dma_start3A_156 : memref<200x128xf32, #tpu.memory_space<hbm>>) target_semaphore(%arg11 : memref<!tpu.dma_semaphore, #tpu.memory_space<semaphore_mem>>)
      %add3A_157 = arith.constant 1000 : i32
      %add3A_158 = arith.addi %mul3A_14, %add3A_157 : i32
      %dma_wait3A_159 = arith.constant 0 : i32
      %dma_wait3A_160 = tpu.memref_slice %arg4[%add3A_158, %dma_wait3A_159] : memref<50000x128xf32, #tpu.memory_space<hbm>> -> memref<200x128xf32, #tpu.memory_space<hbm>>
      %dma_wait3A_161 = arith.constant 0 : i32
      %dma_wait3A_162 = tpu.memref_slice %arg4[%add3A_158, %dma_wait3A_161] : memref<50000x128xf32, #tpu.memory_space<hbm>> -> memref<200x128xf32, #tpu.memory_space<hbm>>
      tpu.wait_dma2 semaphore(%arg11 : memref<!tpu.dma_semaphore, #tpu.memory_space<semaphore_mem>>) src(%arg7 : memref<200x128xf32, #tpu.memory_space<vmem>>) dst(%dma_wait3A_162 : memref<200x128xf32, #tpu.memory_space<hbm>>)
      %add3A_163 = arith.constant 1400 : i32
      %add3A_164 = arith.addi %mul3A_14, %add3A_163 : i32
      %dma_start3A_165 = arith.constant 0 : i32
      %dma_start3A_166 = tpu.memref_slice %arg2[%add3A_164, %dma_start3A_165] : memref<50000x128xf32, #tpu.memory_space<hbm>> -> memref<200x128xf32, #tpu.memory_space<hbm>>
      %dma_start3A_167 = arith.constant 0 : i32
      %dma_start3A_168 = tpu.memref_slice %arg2[%add3A_164, %dma_start3A_167] : memref<50000x128xf32, #tpu.memory_space<hbm>> -> memref<200x128xf32, #tpu.memory_space<hbm>>
      tpu.enqueue_dma source(%dma_start3A_168 : memref<200x128xf32, #tpu.memory_space<hbm>>) target(%arg7 : memref<200x128xf32, #tpu.memory_space<vmem>>) target_semaphore(%arg9 : memref<!tpu.dma_semaphore, #tpu.memory_space<semaphore_mem>>)
      %add3A_169 = arith.constant 1200 : i32
      %add3A_170 = arith.addi %mul3A_14, %add3A_169 : i32
      %dma_wait3A_171 = arith.constant 0 : i32
      %dma_wait3A_172 = tpu.memref_slice %arg2[%add3A_170, %dma_wait3A_171] : memref<50000x128xf32, #tpu.memory_space<hbm>> -> memref<200x128xf32, #tpu.memory_space<hbm>>
      %dma_wait3A_173 = arith.constant 0 : i32
      %dma_wait3A_174 = tpu.memref_slice %arg2[%add3A_170, %dma_wait3A_173] : memref<50000x128xf32, #tpu.memory_space<hbm>> -> memref<200x128xf32, #tpu.memory_space<hbm>>
      tpu.wait_dma2 semaphore(%arg8 : memref<!tpu.dma_semaphore, #tpu.memory_space<semaphore_mem>>) src(%dma_wait3A_174 : memref<200x128xf32, #tpu.memory_space<hbm>>) dst(%arg6 : memref<200x128xf32, #tpu.memory_space<vmem>>)
      %add3A_175 = arith.constant 1200 : i32
      %add3A_176 = arith.addi %mul3A_14, %add3A_175 : i32
      %dma_start3A_177 = arith.constant 0 : i32
      %dma_start3A_178 = tpu.memref_slice %arg4[%add3A_176, %dma_start3A_177] : memref<50000x128xf32, #tpu.memory_space<hbm>> -> memref<200x128xf32, #tpu.memory_space<hbm>>
      %dma_start3A_179 = arith.constant 0 : i32
      %dma_start3A_180 = tpu.memref_slice %arg4[%add3A_176, %dma_start3A_179] : memref<50000x128xf32, #tpu.memory_space<hbm>> -> memref<200x128xf32, #tpu.memory_space<hbm>>
      tpu.enqueue_dma source(%arg6 : memref<200x128xf32, #tpu.memory_space<vmem>>) target(%dma_start3A_180 : memref<200x128xf32, #tpu.memory_space<hbm>>) target_semaphore(%arg10 : memref<!tpu.dma_semaphore, #tpu.memory_space<semaphore_mem>>)
      %add3A_181 = arith.constant 1200 : i32
      %add3A_182 = arith.addi %mul3A_14, %add3A_181 : i32
      %dma_wait3A_183 = arith.constant 0 : i32
      %dma_wait3A_184 = tpu.memref_slice %arg4[%add3A_182, %dma_wait3A_183] : memref<50000x128xf32, #tpu.memory_space<hbm>> -> memref<200x128xf32, #tpu.memory_space<hbm>>
      %dma_wait3A_185 = arith.constant 0 : i32
      %dma_wait3A_186 = tpu.memref_slice %arg4[%add3A_182, %dma_wait3A_185] : memref<50000x128xf32, #tpu.memory_space<hbm>> -> memref<200x128xf32, #tpu.memory_space<hbm>>
      tpu.wait_dma2 semaphore(%arg10 : memref<!tpu.dma_semaphore, #tpu.memory_space<semaphore_mem>>) src(%arg6 : memref<200x128xf32, #tpu.memory_space<vmem>>) dst(%dma_wait3A_186 : memref<200x128xf32, #tpu.memory_space<hbm>>)
      %add3A_187 = arith.constant 1600 : i32
      %add3A_188 = arith.addi %mul3A_14, %add3A_187 : i32
      %dma_start3A_189 = arith.constant 0 : i32
      %dma_start3A_190 = tpu.memref_slice %arg2[%add3A_188, %dma_start3A_189] : memref<50000x128xf32, #tpu.memory_space<hbm>> -> memref<200x128xf32, #tpu.memory_space<hbm>>
      %dma_start3A_191 = arith.constant 0 : i32
      %dma_start3A_192 = tpu.memref_slice %arg2[%add3A_188, %dma_start3A_191] : memref<50000x128xf32, #tpu.memory_space<hbm>> -> memref<200x128xf32, #tpu.memory_space<hbm>>
      tpu.enqueue_dma source(%dma_start3A_192 : memref<200x128xf32, #tpu.memory_space<hbm>>) target(%arg6 : memref<200x128xf32, #tpu.memory_space<vmem>>) target_semaphore(%arg8 : memref<!tpu.dma_semaphore, #tpu.memory_space<semaphore_mem>>)
      %add3A_193 = arith.constant 1400 : i32
      %add3A_194 = arith.addi %mul3A_14, %add3A_193 : i32
      %dma_wait3A_195 = arith.constant 0 : i32
      %dma_wait3A_196 = tpu.memref_slice %arg2[%add3A_194, %dma_wait3A_195] : memref<50000x128xf32, #tpu.memory_space<hbm>> -> memref<200x128xf32, #tpu.memory_space<hbm>>
      %dma_wait3A_197 = arith.constant 0 : i32
      %dma_wait3A_198 = tpu.memref_slice %arg2[%add3A_194, %dma_wait3A_197] : memref<50000x128xf32, #tpu.memory_space<hbm>> -> memref<200x128xf32, #tpu.memory_space<hbm>>
      tpu.wait_dma2 semaphore(%arg9 : memref<!tpu.dma_semaphore, #tpu.memory_space<semaphore_mem>>) src(%dma_wait3A_198 : memref<200x128xf32, #tpu.memory_space<hbm>>) dst(%arg7 : memref<200x128xf32, #tpu.memory_space<vmem>>)
      %add3A_199 = arith.constant 1400 : i32
      %add3A_200 = arith.addi %mul3A_14, %add3A_199 : i32
      %dma_start3A_201 = arith.constant 0 : i32
      %dma_start3A_202 = tpu.memref_slice %arg4[%add3A_200, %dma_start3A_201] : memref<50000x128xf32, #tpu.memory_space<hbm>> -> memref<200x128xf32, #tpu.memory_space<hbm>>
      %dma_start3A_203 = arith.constant 0 : i32
      %dma_start3A_204 = tpu.memref_slice %arg4[%add3A_200, %dma_start3A_203] : memref<50000x128xf32, #tpu.memory_space<hbm>> -> memref<200x128xf32, #tpu.memory_space<hbm>>
      tpu.enqueue_dma source(%arg7 : memref<200x128xf32, #tpu.memory_space<vmem>>) target(%dma_start3A_204 : memref<200x128xf32, #tpu.memory_space<hbm>>) target_semaphore(%arg11 : memref<!tpu.dma_semaphore, #tpu.memory_space<semaphore_mem>>)
      %add3A_205 = arith.constant 1400 : i32
      %add3A_206 = arith.addi %mul3A_14, %add3A_205 : i32
      %dma_wait3A_207 = arith.constant 0 : i32
      %dma_wait3A_208 = tpu.memref_slice %arg4[%add3A_206, %dma_wait3A_207] : memref<50000x128xf32, #tpu.memory_space<hbm>> -> memref<200x128xf32, #tpu.memory_space<hbm>>
      %dma_wait3A_209 = arith.constant 0 : i32
      %dma_wait3A_210 = tpu.memref_slice %arg4[%add3A_206, %dma_wait3A_209] : memref<50000x128xf32, #tpu.memory_space<hbm>> -> memref<200x128xf32, #tpu.memory_space<hbm>>
      tpu.wait_dma2 semaphore(%arg11 : memref<!tpu.dma_semaphore, #tpu.memory_space<semaphore_mem>>) src(%arg7 : memref<200x128xf32, #tpu.memory_space<vmem>>) dst(%dma_wait3A_210 : memref<200x128xf32, #tpu.memory_space<hbm>>)
      %add3A_211 = arith.constant 1800 : i32
      %add3A_212 = arith.addi %mul3A_14, %add3A_211 : i32
      %dma_start3A_213 = arith.constant 0 : i32
      %dma_start3A_214 = tpu.memref_slice %arg2[%add3A_212, %dma_start3A_213] : memref<50000x128xf32, #tpu.memory_space<hbm>> -> memref<200x128xf32, #tpu.memory_space<hbm>>
      %dma_start3A_215 = arith.constant 0 : i32
      %dma_start3A_216 = tpu.memref_slice %arg2[%add3A_212, %dma_start3A_215] : memref<50000x128xf32, #tpu.memory_space<hbm>> -> memref<200x128xf32, #tpu.memory_space<hbm>>
      tpu.enqueue_dma source(%dma_start3A_216 : memref<200x128xf32, #tpu.memory_space<hbm>>) target(%arg7 : memref<200x128xf32, #tpu.memory_space<vmem>>) target_semaphore(%arg9 : memref<!tpu.dma_semaphore, #tpu.memory_space<semaphore_mem>>)
      %add3A_217 = arith.constant 1600 : i32
      %add3A_218 = arith.addi %mul3A_14, %add3A_217 : i32
      %dma_wait3A_219 = arith.constant 0 : i32
      %dma_wait3A_220 = tpu.memref_slice %arg2[%add3A_218, %dma_wait3A_219] : memref<50000x128xf32, #tpu.memory_space<hbm>> -> memref<200x128xf32, #tpu.memory_space<hbm>>
      %dma_wait3A_221 = arith.constant 0 : i32
      %dma_wait3A_222 = tpu.memref_slice %arg2[%add3A_218, %dma_wait3A_221] : memref<50000x128xf32, #tpu.memory_space<hbm>> -> memref<200x128xf32, #tpu.memory_space<hbm>>
      tpu.wait_dma2 semaphore(%arg8 : memref<!tpu.dma_semaphore, #tpu.memory_space<semaphore_mem>>) src(%dma_wait3A_222 : memref<200x128xf32, #tpu.memory_space<hbm>>) dst(%arg6 : memref<200x128xf32, #tpu.memory_space<vmem>>)
      %add3A_223 = arith.constant 1600 : i32
      %add3A_224 = arith.addi %mul3A_14, %add3A_223 : i32
      %dma_start3A_225 = arith.constant 0 : i32
      %dma_start3A_226 = tpu.memref_slice %arg4[%add3A_224, %dma_start3A_225] : memref<50000x128xf32, #tpu.memory_space<hbm>> -> memref<200x128xf32, #tpu.memory_space<hbm>>
      %dma_start3A_227 = arith.constant 0 : i32
      %dma_start3A_228 = tpu.memref_slice %arg4[%add3A_224, %dma_start3A_227] : memref<50000x128xf32, #tpu.memory_space<hbm>> -> memref<200x128xf32, #tpu.memory_space<hbm>>
      tpu.enqueue_dma source(%arg6 : memref<200x128xf32, #tpu.memory_space<vmem>>) target(%dma_start3A_228 : memref<200x128xf32, #tpu.memory_space<hbm>>) target_semaphore(%arg10 : memref<!tpu.dma_semaphore, #tpu.memory_space<semaphore_mem>>)
      %add3A_229 = arith.constant 1800 : i32
      %add3A_230 = arith.addi %mul3A_14, %add3A_229 : i32
      %dma_wait3A_231 = arith.constant 0 : i32
      %dma_wait3A_232 = tpu.memref_slice %arg2[%add3A_230, %dma_wait3A_231] : memref<50000x128xf32, #tpu.memory_space<hbm>> -> memref<200x128xf32, #tpu.memory_space<hbm>>
      %dma_wait3A_233 = arith.constant 0 : i32
      %dma_wait3A_234 = tpu.memref_slice %arg2[%add3A_230, %dma_wait3A_233] : memref<50000x128xf32, #tpu.memory_space<hbm>> -> memref<200x128xf32, #tpu.memory_space<hbm>>
      tpu.wait_dma2 semaphore(%arg9 : memref<!tpu.dma_semaphore, #tpu.memory_space<semaphore_mem>>) src(%dma_wait3A_234 : memref<200x128xf32, #tpu.memory_space<hbm>>) dst(%arg7 : memref<200x128xf32, #tpu.memory_space<vmem>>)
      %add3A_235 = arith.constant 1800 : i32
      %add3A_236 = arith.addi %mul3A_14, %add3A_235 : i32
      %dma_start3A_237 = arith.constant 0 : i32
      %dma_start3A_238 = tpu.memref_slice %arg4[%add3A_236, %dma_start3A_237] : memref<50000x128xf32, #tpu.memory_space<hbm>> -> memref<200x128xf32, #tpu.memory_space<hbm>>
      %dma_start3A_239 = arith.constant 0 : i32
      %dma_start3A_240 = tpu.memref_slice %arg4[%add3A_236, %dma_start3A_239] : memref<50000x128xf32, #tpu.memory_space<hbm>> -> memref<200x128xf32, #tpu.memory_space<hbm>>
      tpu.enqueue_dma source(%arg7 : memref<200x128xf32, #tpu.memory_space<vmem>>) target(%dma_start3A_240 : memref<200x128xf32, #tpu.memory_space<hbm>>) target_semaphore(%arg11 : memref<!tpu.dma_semaphore, #tpu.memory_space<semaphore_mem>>)
      %add3A_241 = arith.constant 1600 : i32
      %add3A_242 = arith.addi %mul3A_14, %add3A_241 : i32
      %dma_wait3A_243 = arith.constant 0 : i32
      %dma_wait3A_244 = tpu.memref_slice %arg4[%add3A_242, %dma_wait3A_243] : memref<50000x128xf32, #tpu.memory_space<hbm>> -> memref<200x128xf32, #tpu.memory_space<hbm>>
      %dma_wait3A_245 = arith.constant 0 : i32
      %dma_wait3A_246 = tpu.memref_slice %arg4[%add3A_242, %dma_wait3A_245] : memref<50000x128xf32, #tpu.memory_space<hbm>> -> memref<200x128xf32, #tpu.memory_space<hbm>>
      tpu.wait_dma2 semaphore(%arg10 : memref<!tpu.dma_semaphore, #tpu.memory_space<semaphore_mem>>) src(%arg6 : memref<200x128xf32, #tpu.memory_space<vmem>>) dst(%dma_wait3A_246 : memref<200x128xf32, #tpu.memory_space<hbm>>)
      %add3A_247 = arith.constant 1800 : i32
      %add3A_248 = arith.addi %mul3A_14, %add3A_247 : i32
      %dma_wait3A_249 = arith.constant 0 : i32
      %dma_wait3A_250 = tpu.memref_slice %arg4[%add3A_248, %dma_wait3A_249] : memref<50000x128xf32, #tpu.memory_space<hbm>> -> memref<200x128xf32, #tpu.memory_space<hbm>>
      %dma_wait3A_251 = arith.constant 0 : i32
      %dma_wait3A_252 = tpu.memref_slice %arg4[%add3A_248, %dma_wait3A_251] : memref<50000x128xf32, #tpu.memory_space<hbm>> -> memref<200x128xf32, #tpu.memory_space<hbm>>
      tpu.wait_dma2 semaphore(%arg11 : memref<!tpu.dma_semaphore, #tpu.memory_space<semaphore_mem>>) src(%arg7 : memref<200x128xf32, #tpu.memory_space<vmem>>) dst(%dma_wait3A_252 : memref<200x128xf32, #tpu.memory_space<hbm>>)
    } else {
    }
    %ge3A_4 = arith.constant 25 : i32
    %ge3A_5 = arith.cmpi sge, %add3A, %ge3A_4 : i32
    %lt3A_6 = arith.constant 30 : i32
    %lt3A_7 = arith.cmpi slt, %add3A, %lt3A_6 : i32
    %and3A_8 = arith.andi %ge3A_5, %lt3A_7 : i1
    %convert_element_type3A_9 = arith.extui %and3A_8 : i1 to i32
    %cond3A_10 = arith.constant 0 : i32
    %cond3A_11 = arith.cmpi ne, %convert_element_type3A_9, %cond3A_10 : i32
    scf.if %cond3A_11 {
      %sub3A = arith.constant 25 : i32
      %sub3A_12 = arith.subi %add3A, %sub3A : i32
      %mul3A_13 = arith.constant 2000 : i32
      %mul3A_14 = arith.muli %sub3A_12, %mul3A_13 : i32
      %add3A_15 = arith.constant 0 : i32
      %add3A_16 = arith.addi %mul3A_14, %add3A_15 : i32
      %dma_start3A = arith.constant 0 : i32
      %dma_start3A_17 = tpu.memref_slice %arg3[%add3A_16, %dma_start3A] : memref<10000x128xf32, #tpu.memory_space<hbm>> -> memref<200x128xf32, #tpu.memory_space<hbm>>
      %dma_start3A_18 = arith.constant 0 : i32
      %dma_start3A_19 = tpu.memref_slice %arg3[%add3A_16, %dma_start3A_18] : memref<10000x128xf32, #tpu.memory_space<hbm>> -> memref<200x128xf32, #tpu.memory_space<hbm>>
      tpu.enqueue_dma source(%dma_start3A_19 : memref<200x128xf32, #tpu.memory_space<hbm>>) target(%arg6 : memref<200x128xf32, #tpu.memory_space<vmem>>) target_semaphore(%arg8 : memref<!tpu.dma_semaphore, #tpu.memory_space<semaphore_mem>>)
      %add3A_20 = arith.constant 200 : i32
      %add3A_21 = arith.addi %mul3A_14, %add3A_20 : i32
      %dma_start3A_22 = arith.constant 0 : i32
      %dma_start3A_23 = tpu.memref_slice %arg3[%add3A_21, %dma_start3A_22] : memref<10000x128xf32, #tpu.memory_space<hbm>> -> memref<200x128xf32, #tpu.memory_space<hbm>>
      %dma_start3A_24 = arith.constant 0 : i32
      %dma_start3A_25 = tpu.memref_slice %arg3[%add3A_21, %dma_start3A_24] : memref<10000x128xf32, #tpu.memory_space<hbm>> -> memref<200x128xf32, #tpu.memory_space<hbm>>
      tpu.enqueue_dma source(%dma_start3A_25 : memref<200x128xf32, #tpu.memory_space<hbm>>) target(%arg7 : memref<200x128xf32, #tpu.memory_space<vmem>>) target_semaphore(%arg9 : memref<!tpu.dma_semaphore, #tpu.memory_space<semaphore_mem>>)
      %add3A_26 = arith.constant 0 : i32
      %add3A_27 = arith.addi %mul3A_14, %add3A_26 : i32
      %dma_wait3A = arith.constant 0 : i32
      %dma_wait3A_28 = tpu.memref_slice %arg3[%add3A_27, %dma_wait3A] : memref<10000x128xf32, #tpu.memory_space<hbm>> -> memref<200x128xf32, #tpu.memory_space<hbm>>
      %dma_wait3A_29 = arith.constant 0 : i32
      %dma_wait3A_30 = tpu.memref_slice %arg3[%add3A_27, %dma_wait3A_29] : memref<10000x128xf32, #tpu.memory_space<hbm>> -> memref<200x128xf32, #tpu.memory_space<hbm>>
      tpu.wait_dma2 semaphore(%arg8 : memref<!tpu.dma_semaphore, #tpu.memory_space<semaphore_mem>>) src(%dma_wait3A_30 : memref<200x128xf32, #tpu.memory_space<hbm>>) dst(%arg6 : memref<200x128xf32, #tpu.memory_space<vmem>>)
      %add3A_31 = arith.constant 0 : i32
      %add3A_32 = arith.addi %mul3A_14, %add3A_31 : i32
      %dma_start3A_33 = arith.constant 0 : i32
      %dma_start3A_34 = tpu.memref_slice %arg5[%add3A_32, %dma_start3A_33] : memref<10000x128xf32, #tpu.memory_space<hbm>> -> memref<200x128xf32, #tpu.memory_space<hbm>>
      %dma_start3A_35 = arith.constant 0 : i32
      %dma_start3A_36 = tpu.memref_slice %arg5[%add3A_32, %dma_start3A_35] : memref<10000x128xf32, #tpu.memory_space<hbm>> -> memref<200x128xf32, #tpu.memory_space<hbm>>
      tpu.enqueue_dma source(%arg6 : memref<200x128xf32, #tpu.memory_space<vmem>>) target(%dma_start3A_36 : memref<200x128xf32, #tpu.memory_space<hbm>>) target_semaphore(%arg10 : memref<!tpu.dma_semaphore, #tpu.memory_space<semaphore_mem>>)
      %add3A_37 = arith.constant 0 : i32
      %add3A_38 = arith.addi %mul3A_14, %add3A_37 : i32
      %dma_wait3A_39 = arith.constant 0 : i32
      %dma_wait3A_40 = tpu.memref_slice %arg5[%add3A_38, %dma_wait3A_39] : memref<10000x128xf32, #tpu.memory_space<hbm>> -> memref<200x128xf32, #tpu.memory_space<hbm>>
      %dma_wait3A_41 = arith.constant 0 : i32
      %dma_wait3A_42 = tpu.memref_slice %arg5[%add3A_38, %dma_wait3A_41] : memref<10000x128xf32, #tpu.memory_space<hbm>> -> memref<200x128xf32, #tpu.memory_space<hbm>>
      tpu.wait_dma2 semaphore(%arg10 : memref<!tpu.dma_semaphore, #tpu.memory_space<semaphore_mem>>) src(%arg6 : memref<200x128xf32, #tpu.memory_space<vmem>>) dst(%dma_wait3A_42 : memref<200x128xf32, #tpu.memory_space<hbm>>)
      %add3A_43 = arith.constant 400 : i32
      %add3A_44 = arith.addi %mul3A_14, %add3A_43 : i32
      %dma_start3A_45 = arith.constant 0 : i32
      %dma_start3A_46 = tpu.memref_slice %arg3[%add3A_44, %dma_start3A_45] : memref<10000x128xf32, #tpu.memory_space<hbm>> -> memref<200x128xf32, #tpu.memory_space<hbm>>
      %dma_start3A_47 = arith.constant 0 : i32
      %dma_start3A_48 = tpu.memref_slice %arg3[%add3A_44, %dma_start3A_47] : memref<10000x128xf32, #tpu.memory_space<hbm>> -> memref<200x128xf32, #tpu.memory_space<hbm>>
      tpu.enqueue_dma source(%dma_start3A_48 : memref<200x128xf32, #tpu.memory_space<hbm>>) target(%arg6 : memref<200x128xf32, #tpu.memory_space<vmem>>) target_semaphore(%arg8 : memref<!tpu.dma_semaphore, #tpu.memory_space<semaphore_mem>>)
      %add3A_49 = arith.constant 200 : i32
      %add3A_50 = arith.addi %mul3A_14, %add3A_49 : i32
      %dma_wait3A_51 = arith.constant 0 : i32
      %dma_wait3A_52 = tpu.memref_slice %arg3[%add3A_50, %dma_wait3A_51] : memref<10000x128xf32, #tpu.memory_space<hbm>> -> memref<200x128xf32, #tpu.memory_space<hbm>>
      %dma_wait3A_53 = arith.constant 0 : i32
      %dma_wait3A_54 = tpu.memref_slice %arg3[%add3A_50, %dma_wait3A_53] : memref<10000x128xf32, #tpu.memory_space<hbm>> -> memref<200x128xf32, #tpu.memory_space<hbm>>
      tpu.wait_dma2 semaphore(%arg9 : memref<!tpu.dma_semaphore, #tpu.memory_space<semaphore_mem>>) src(%dma_wait3A_54 : memref<200x128xf32, #tpu.memory_space<hbm>>) dst(%arg7 : memref<200x128xf32, #tpu.memory_space<vmem>>)
      %add3A_55 = arith.constant 200 : i32
      %add3A_56 = arith.addi %mul3A_14, %add3A_55 : i32
      %dma_start3A_57 = arith.constant 0 : i32
      %dma_start3A_58 = tpu.memref_slice %arg5[%add3A_56, %dma_start3A_57] : memref<10000x128xf32, #tpu.memory_space<hbm>> -> memref<200x128xf32, #tpu.memory_space<hbm>>
      %dma_start3A_59 = arith.constant 0 : i32
      %dma_start3A_60 = tpu.memref_slice %arg5[%add3A_56, %dma_start3A_59] : memref<10000x128xf32, #tpu.memory_space<hbm>> -> memref<200x128xf32, #tpu.memory_space<hbm>>
      tpu.enqueue_dma source(%arg7 : memref<200x128xf32, #tpu.memory_space<vmem>>) target(%dma_start3A_60 : memref<200x128xf32, #tpu.memory_space<hbm>>) target_semaphore(%arg11 : memref<!tpu.dma_semaphore, #tpu.memory_space<semaphore_mem>>)
      %add3A_61 = arith.constant 200 : i32
      %add3A_62 = arith.addi %mul3A_14, %add3A_61 : i32
      %dma_wait3A_63 = arith.constant 0 : i32
      %dma_wait3A_64 = tpu.memref_slice %arg5[%add3A_62, %dma_wait3A_63] : memref<10000x128xf32, #tpu.memory_space<hbm>> -> memref<200x128xf32, #tpu.memory_space<hbm>>
      %dma_wait3A_65 = arith.constant 0 : i32
      %dma_wait3A_66 = tpu.memref_slice %arg5[%add3A_62, %dma_wait3A_65] : memref<10000x128xf32, #tpu.memory_space<hbm>> -> memref<200x128xf32, #tpu.memory_space<hbm>>
      tpu.wait_dma2 semaphore(%arg11 : memref<!tpu.dma_semaphore, #tpu.memory_space<semaphore_mem>>) src(%arg7 : memref<200x128xf32, #tpu.memory_space<vmem>>) dst(%dma_wait3A_66 : memref<200x128xf32, #tpu.memory_space<hbm>>)
      %add3A_67 = arith.constant 600 : i32
      %add3A_68 = arith.addi %mul3A_14, %add3A_67 : i32
      %dma_start3A_69 = arith.constant 0 : i32
      %dma_start3A_70 = tpu.memref_slice %arg3[%add3A_68, %dma_start3A_69] : memref<10000x128xf32, #tpu.memory_space<hbm>> -> memref<200x128xf32, #tpu.memory_space<hbm>>
      %dma_start3A_71 = arith.constant 0 : i32
      %dma_start3A_72 = tpu.memref_slice %arg3[%add3A_68, %dma_start3A_71] : memref<10000x128xf32, #tpu.memory_space<hbm>> -> memref<200x128xf32, #tpu.memory_space<hbm>>
      tpu.enqueue_dma source(%dma_start3A_72 : memref<200x128xf32, #tpu.memory_space<hbm>>) target(%arg7 : memref<200x128xf32, #tpu.memory_space<vmem>>) target_semaphore(%arg9 : memref<!tpu.dma_semaphore, #tpu.memory_space<semaphore_mem>>)
      %add3A_73 = arith.constant 400 : i32
      %add3A_74 = arith.addi %mul3A_14, %add3A_73 : i32
      %dma_wait3A_75 = arith.constant 0 : i32
      %dma_wait3A_76 = tpu.memref_slice %arg3[%add3A_74, %dma_wait3A_75] : memref<10000x128xf32, #tpu.memory_space<hbm>> -> memref<200x128xf32, #tpu.memory_space<hbm>>
      %dma_wait3A_77 = arith.constant 0 : i32
      %dma_wait3A_78 = tpu.memref_slice %arg3[%add3A_74, %dma_wait3A_77] : memref<10000x128xf32, #tpu.memory_space<hbm>> -> memref<200x128xf32, #tpu.memory_space<hbm>>
      tpu.wait_dma2 semaphore(%arg8 : memref<!tpu.dma_semaphore, #tpu.memory_space<semaphore_mem>>) src(%dma_wait3A_78 : memref<200x128xf32, #tpu.memory_space<hbm>>) dst(%arg6 : memref<200x128xf32, #tpu.memory_space<vmem>>)
      %add3A_79 = arith.constant 400 : i32
      %add3A_80 = arith.addi %mul3A_14, %add3A_79 : i32
      %dma_start3A_81 = arith.constant 0 : i32
      %dma_start3A_82 = tpu.memref_slice %arg5[%add3A_80, %dma_start3A_81] : memref<10000x128xf32, #tpu.memory_space<hbm>> -> memref<200x128xf32, #tpu.memory_space<hbm>>
      %dma_start3A_83 = arith.constant 0 : i32
      %dma_start3A_84 = tpu.memref_slice %arg5[%add3A_80, %dma_start3A_83] : memref<10000x128xf32, #tpu.memory_space<hbm>> -> memref<200x128xf32, #tpu.memory_space<hbm>>
      tpu.enqueue_dma source(%arg6 : memref<200x128xf32, #tpu.memory_space<vmem>>) target(%dma_start3A_84 : memref<200x128xf32, #tpu.memory_space<hbm>>) target_semaphore(%arg10 : memref<!tpu.dma_semaphore, #tpu.memory_space<semaphore_mem>>)
      %add3A_85 = arith.constant 400 : i32
      %add3A_86 = arith.addi %mul3A_14, %add3A_85 : i32
      %dma_wait3A_87 = arith.constant 0 : i32
      %dma_wait3A_88 = tpu.memref_slice %arg5[%add3A_86, %dma_wait3A_87] : memref<10000x128xf32, #tpu.memory_space<hbm>> -> memref<200x128xf32, #tpu.memory_space<hbm>>
      %dma_wait3A_89 = arith.constant 0 : i32
      %dma_wait3A_90 = tpu.memref_slice %arg5[%add3A_86, %dma_wait3A_89] : memref<10000x128xf32, #tpu.memory_space<hbm>> -> memref<200x128xf32, #tpu.memory_space<hbm>>
      tpu.wait_dma2 semaphore(%arg10 : memref<!tpu.dma_semaphore, #tpu.memory_space<semaphore_mem>>) src(%arg6 : memref<200x128xf32, #tpu.memory_space<vmem>>) dst(%dma_wait3A_90 : memref<200x128xf32, #tpu.memory_space<hbm>>)
      %add3A_91 = arith.constant 800 : i32
      %add3A_92 = arith.addi %mul3A_14, %add3A_91 : i32
      %dma_start3A_93 = arith.constant 0 : i32
      %dma_start3A_94 = tpu.memref_slice %arg3[%add3A_92, %dma_start3A_93] : memref<10000x128xf32, #tpu.memory_space<hbm>> -> memref<200x128xf32, #tpu.memory_space<hbm>>
      %dma_start3A_95 = arith.constant 0 : i32
      %dma_start3A_96 = tpu.memref_slice %arg3[%add3A_92, %dma_start3A_95] : memref<10000x128xf32, #tpu.memory_space<hbm>> -> memref<200x128xf32, #tpu.memory_space<hbm>>
      tpu.enqueue_dma source(%dma_start3A_96 : memref<200x128xf32, #tpu.memory_space<hbm>>) target(%arg6 : memref<200x128xf32, #tpu.memory_space<vmem>>) target_semaphore(%arg8 : memref<!tpu.dma_semaphore, #tpu.memory_space<semaphore_mem>>)
      %add3A_97 = arith.constant 600 : i32
      %add3A_98 = arith.addi %mul3A_14, %add3A_97 : i32
      %dma_wait3A_99 = arith.constant 0 : i32
      %dma_wait3A_100 = tpu.memref_slice %arg3[%add3A_98, %dma_wait3A_99] : memref<10000x128xf32, #tpu.memory_space<hbm>> -> memref<200x128xf32, #tpu.memory_space<hbm>>
      %dma_wait3A_101 = arith.constant 0 : i32
      %dma_wait3A_102 = tpu.memref_slice %arg3[%add3A_98, %dma_wait3A_101] : memref<10000x128xf32, #tpu.memory_space<hbm>> -> memref<200x128xf32, #tpu.memory_space<hbm>>
      tpu.wait_dma2 semaphore(%arg9 : memref<!tpu.dma_semaphore, #tpu.memory_space<semaphore_mem>>) src(%dma_wait3A_102 : memref<200x128xf32, #tpu.memory_space<hbm>>) dst(%arg7 : memref<200x128xf32, #tpu.memory_space<vmem>>)
      %add3A_103 = arith.constant 600 : i32
      %add3A_104 = arith.addi %mul3A_14, %add3A_103 : i32
      %dma_start3A_105 = arith.constant 0 : i32
      %dma_start3A_106 = tpu.memref_slice %arg5[%add3A_104, %dma_start3A_105] : memref<10000x128xf32, #tpu.memory_space<hbm>> -> memref<200x128xf32, #tpu.memory_space<hbm>>
      %dma_start3A_107 = arith.constant 0 : i32
      %dma_start3A_108 = tpu.memref_slice %arg5[%add3A_104, %dma_start3A_107] : memref<10000x128xf32, #tpu.memory_space<hbm>> -> memref<200x128xf32, #tpu.memory_space<hbm>>
      tpu.enqueue_dma source(%arg7 : memref<200x128xf32, #tpu.memory_space<vmem>>) target(%dma_start3A_108 : memref<200x128xf32, #tpu.memory_space<hbm>>) target_semaphore(%arg11 : memref<!tpu.dma_semaphore, #tpu.memory_space<semaphore_mem>>)
      %add3A_109 = arith.constant 600 : i32
      %add3A_110 = arith.addi %mul3A_14, %add3A_109 : i32
      %dma_wait3A_111 = arith.constant 0 : i32
      %dma_wait3A_112 = tpu.memref_slice %arg5[%add3A_110, %dma_wait3A_111] : memref<10000x128xf32, #tpu.memory_space<hbm>> -> memref<200x128xf32, #tpu.memory_space<hbm>>
      %dma_wait3A_113 = arith.constant 0 : i32
      %dma_wait3A_114 = tpu.memref_slice %arg5[%add3A_110, %dma_wait3A_113] : memref<10000x128xf32, #tpu.memory_space<hbm>> -> memref<200x128xf32, #tpu.memory_space<hbm>>
      tpu.wait_dma2 semaphore(%arg11 : memref<!tpu.dma_semaphore, #tpu.memory_space<semaphore_mem>>) src(%arg7 : memref<200x128xf32, #tpu.memory_space<vmem>>) dst(%dma_wait3A_114 : memref<200x128xf32, #tpu.memory_space<hbm>>)
      %add3A_115 = arith.constant 1000 : i32
      %add3A_116 = arith.addi %mul3A_14, %add3A_115 : i32
      %dma_start3A_117 = arith.constant 0 : i32
      %dma_start3A_118 = tpu.memref_slice %arg3[%add3A_116, %dma_start3A_117] : memref<10000x128xf32, #tpu.memory_space<hbm>> -> memref<200x128xf32, #tpu.memory_space<hbm>>
      %dma_start3A_119 = arith.constant 0 : i32
      %dma_start3A_120 = tpu.memref_slice %arg3[%add3A_116, %dma_start3A_119] : memref<10000x128xf32, #tpu.memory_space<hbm>> -> memref<200x128xf32, #tpu.memory_space<hbm>>
      tpu.enqueue_dma source(%dma_start3A_120 : memref<200x128xf32, #tpu.memory_space<hbm>>) target(%arg7 : memref<200x128xf32, #tpu.memory_space<vmem>>) target_semaphore(%arg9 : memref<!tpu.dma_semaphore, #tpu.memory_space<semaphore_mem>>)
      %add3A_121 = arith.constant 800 : i32
      %add3A_122 = arith.addi %mul3A_14, %add3A_121 : i32
      %dma_wait3A_123 = arith.constant 0 : i32
      %dma_wait3A_124 = tpu.memref_slice %arg3[%add3A_122, %dma_wait3A_123] : memref<10000x128xf32, #tpu.memory_space<hbm>> -> memref<200x128xf32, #tpu.memory_space<hbm>>
      %dma_wait3A_125 = arith.constant 0 : i32
      %dma_wait3A_126 = tpu.memref_slice %arg3[%add3A_122, %dma_wait3A_125] : memref<10000x128xf32, #tpu.memory_space<hbm>> -> memref<200x128xf32, #tpu.memory_space<hbm>>
      tpu.wait_dma2 semaphore(%arg8 : memref<!tpu.dma_semaphore, #tpu.memory_space<semaphore_mem>>) src(%dma_wait3A_126 : memref<200x128xf32, #tpu.memory_space<hbm>>) dst(%arg6 : memref<200x128xf32, #tpu.memory_space<vmem>>)
      %add3A_127 = arith.constant 800 : i32
      %add3A_128 = arith.addi %mul3A_14, %add3A_127 : i32
      %dma_start3A_129 = arith.constant 0 : i32
      %dma_start3A_130 = tpu.memref_slice %arg5[%add3A_128, %dma_start3A_129] : memref<10000x128xf32, #tpu.memory_space<hbm>> -> memref<200x128xf32, #tpu.memory_space<hbm>>
      %dma_start3A_131 = arith.constant 0 : i32
      %dma_start3A_132 = tpu.memref_slice %arg5[%add3A_128, %dma_start3A_131] : memref<10000x128xf32, #tpu.memory_space<hbm>> -> memref<200x128xf32, #tpu.memory_space<hbm>>
      tpu.enqueue_dma source(%arg6 : memref<200x128xf32, #tpu.memory_space<vmem>>) target(%dma_start3A_132 : memref<200x128xf32, #tpu.memory_space<hbm>>) target_semaphore(%arg10 : memref<!tpu.dma_semaphore, #tpu.memory_space<semaphore_mem>>)
      %add3A_133 = arith.constant 800 : i32
      %add3A_134 = arith.addi %mul3A_14, %add3A_133 : i32
      %dma_wait3A_135 = arith.constant 0 : i32
      %dma_wait3A_136 = tpu.memref_slice %arg5[%add3A_134, %dma_wait3A_135] : memref<10000x128xf32, #tpu.memory_space<hbm>> -> memref<200x128xf32, #tpu.memory_space<hbm>>
      %dma_wait3A_137 = arith.constant 0 : i32
      %dma_wait3A_138 = tpu.memref_slice %arg5[%add3A_134, %dma_wait3A_137] : memref<10000x128xf32, #tpu.memory_space<hbm>> -> memref<200x128xf32, #tpu.memory_space<hbm>>
      tpu.wait_dma2 semaphore(%arg10 : memref<!tpu.dma_semaphore, #tpu.memory_space<semaphore_mem>>) src(%arg6 : memref<200x128xf32, #tpu.memory_space<vmem>>) dst(%dma_wait3A_138 : memref<200x128xf32, #tpu.memory_space<hbm>>)
      %add3A_139 = arith.constant 1200 : i32
      %add3A_140 = arith.addi %mul3A_14, %add3A_139 : i32
      %dma_start3A_141 = arith.constant 0 : i32
      %dma_start3A_142 = tpu.memref_slice %arg3[%add3A_140, %dma_start3A_141] : memref<10000x128xf32, #tpu.memory_space<hbm>> -> memref<200x128xf32, #tpu.memory_space<hbm>>
      %dma_start3A_143 = arith.constant 0 : i32
      %dma_start3A_144 = tpu.memref_slice %arg3[%add3A_140, %dma_start3A_143] : memref<10000x128xf32, #tpu.memory_space<hbm>> -> memref<200x128xf32, #tpu.memory_space<hbm>>
      tpu.enqueue_dma source(%dma_start3A_144 : memref<200x128xf32, #tpu.memory_space<hbm>>) target(%arg6 : memref<200x128xf32, #tpu.memory_space<vmem>>) target_semaphore(%arg8 : memref<!tpu.dma_semaphore, #tpu.memory_space<semaphore_mem>>)
      %add3A_145 = arith.constant 1000 : i32
      %add3A_146 = arith.addi %mul3A_14, %add3A_145 : i32
      %dma_wait3A_147 = arith.constant 0 : i32
      %dma_wait3A_148 = tpu.memref_slice %arg3[%add3A_146, %dma_wait3A_147] : memref<10000x128xf32, #tpu.memory_space<hbm>> -> memref<200x128xf32, #tpu.memory_space<hbm>>
      %dma_wait3A_149 = arith.constant 0 : i32
      %dma_wait3A_150 = tpu.memref_slice %arg3[%add3A_146, %dma_wait3A_149] : memref<10000x128xf32, #tpu.memory_space<hbm>> -> memref<200x128xf32, #tpu.memory_space<hbm>>
      tpu.wait_dma2 semaphore(%arg9 : memref<!tpu.dma_semaphore, #tpu.memory_space<semaphore_mem>>) src(%dma_wait3A_150 : memref<200x128xf32, #tpu.memory_space<hbm>>) dst(%arg7 : memref<200x128xf32, #tpu.memory_space<vmem>>)
      %add3A_151 = arith.constant 1000 : i32
      %add3A_152 = arith.addi %mul3A_14, %add3A_151 : i32
      %dma_start3A_153 = arith.constant 0 : i32
      %dma_start3A_154 = tpu.memref_slice %arg5[%add3A_152, %dma_start3A_153] : memref<10000x128xf32, #tpu.memory_space<hbm>> -> memref<200x128xf32, #tpu.memory_space<hbm>>
      %dma_start3A_155 = arith.constant 0 : i32
      %dma_start3A_156 = tpu.memref_slice %arg5[%add3A_152, %dma_start3A_155] : memref<10000x128xf32, #tpu.memory_space<hbm>> -> memref<200x128xf32, #tpu.memory_space<hbm>>
      tpu.enqueue_dma source(%arg7 : memref<200x128xf32, #tpu.memory_space<vmem>>) target(%dma_start3A_156 : memref<200x128xf32, #tpu.memory_space<hbm>>) target_semaphore(%arg11 : memref<!tpu.dma_semaphore, #tpu.memory_space<semaphore_mem>>)
      %add3A_157 = arith.constant 1000 : i32
      %add3A_158 = arith.addi %mul3A_14, %add3A_157 : i32
      %dma_wait3A_159 = arith.constant 0 : i32
      %dma_wait3A_160 = tpu.memref_slice %arg5[%add3A_158, %dma_wait3A_159] : memref<10000x128xf32, #tpu.memory_space<hbm>> -> memref<200x128xf32, #tpu.memory_space<hbm>>
      %dma_wait3A_161 = arith.constant 0 : i32
      %dma_wait3A_162 = tpu.memref_slice %arg5[%add3A_158, %dma_wait3A_161] : memref<10000x128xf32, #tpu.memory_space<hbm>> -> memref<200x128xf32, #tpu.memory_space<hbm>>
      tpu.wait_dma2 semaphore(%arg11 : memref<!tpu.dma_semaphore, #tpu.memory_space<semaphore_mem>>) src(%arg7 : memref<200x128xf32, #tpu.memory_space<vmem>>) dst(%dma_wait3A_162 : memref<200x128xf32, #tpu.memory_space<hbm>>)
      %add3A_163 = arith.constant 1400 : i32
      %add3A_164 = arith.addi %mul3A_14, %add3A_163 : i32
      %dma_start3A_165 = arith.constant 0 : i32
      %dma_start3A_166 = tpu.memref_slice %arg3[%add3A_164, %dma_start3A_165] : memref<10000x128xf32, #tpu.memory_space<hbm>> -> memref<200x128xf32, #tpu.memory_space<hbm>>
      %dma_start3A_167 = arith.constant 0 : i32
      %dma_start3A_168 = tpu.memref_slice %arg3[%add3A_164, %dma_start3A_167] : memref<10000x128xf32, #tpu.memory_space<hbm>> -> memref<200x128xf32, #tpu.memory_space<hbm>>
      tpu.enqueue_dma source(%dma_start3A_168 : memref<200x128xf32, #tpu.memory_space<hbm>>) target(%arg7 : memref<200x128xf32, #tpu.memory_space<vmem>>) target_semaphore(%arg9 : memref<!tpu.dma_semaphore, #tpu.memory_space<semaphore_mem>>)
      %add3A_169 = arith.constant 1200 : i32
      %add3A_170 = arith.addi %mul3A_14, %add3A_169 : i32
      %dma_wait3A_171 = arith.constant 0 : i32
      %dma_wait3A_172 = tpu.memref_slice %arg3[%add3A_170, %dma_wait3A_171] : memref<10000x128xf32, #tpu.memory_space<hbm>> -> memref<200x128xf32, #tpu.memory_space<hbm>>
      %dma_wait3A_173 = arith.constant 0 : i32
      %dma_wait3A_174 = tpu.memref_slice %arg3[%add3A_170, %dma_wait3A_173] : memref<10000x128xf32, #tpu.memory_space<hbm>> -> memref<200x128xf32, #tpu.memory_space<hbm>>
      tpu.wait_dma2 semaphore(%arg8 : memref<!tpu.dma_semaphore, #tpu.memory_space<semaphore_mem>>) src(%dma_wait3A_174 : memref<200x128xf32, #tpu.memory_space<hbm>>) dst(%arg6 : memref<200x128xf32, #tpu.memory_space<vmem>>)
      %add3A_175 = arith.constant 1200 : i32
      %add3A_176 = arith.addi %mul3A_14, %add3A_175 : i32
      %dma_start3A_177 = arith.constant 0 : i32
      %dma_start3A_178 = tpu.memref_slice %arg5[%add3A_176, %dma_start3A_177] : memref<10000x128xf32, #tpu.memory_space<hbm>> -> memref<200x128xf32, #tpu.memory_space<hbm>>
      %dma_start3A_179 = arith.constant 0 : i32
      %dma_start3A_180 = tpu.memref_slice %arg5[%add3A_176, %dma_start3A_179] : memref<10000x128xf32, #tpu.memory_space<hbm>> -> memref<200x128xf32, #tpu.memory_space<hbm>>
      tpu.enqueue_dma source(%arg6 : memref<200x128xf32, #tpu.memory_space<vmem>>) target(%dma_start3A_180 : memref<200x128xf32, #tpu.memory_space<hbm>>) target_semaphore(%arg10 : memref<!tpu.dma_semaphore, #tpu.memory_space<semaphore_mem>>)
      %add3A_181 = arith.constant 1200 : i32
      %add3A_182 = arith.addi %mul3A_14, %add3A_181 : i32
      %dma_wait3A_183 = arith.constant 0 : i32
      %dma_wait3A_184 = tpu.memref_slice %arg5[%add3A_182, %dma_wait3A_183] : memref<10000x128xf32, #tpu.memory_space<hbm>> -> memref<200x128xf32, #tpu.memory_space<hbm>>
      %dma_wait3A_185 = arith.constant 0 : i32
      %dma_wait3A_186 = tpu.memref_slice %arg5[%add3A_182, %dma_wait3A_185] : memref<10000x128xf32, #tpu.memory_space<hbm>> -> memref<200x128xf32, #tpu.memory_space<hbm>>
      tpu.wait_dma2 semaphore(%arg10 : memref<!tpu.dma_semaphore, #tpu.memory_space<semaphore_mem>>) src(%arg6 : memref<200x128xf32, #tpu.memory_space<vmem>>) dst(%dma_wait3A_186 : memref<200x128xf32, #tpu.memory_space<hbm>>)
      %add3A_187 = arith.constant 1600 : i32
      %add3A_188 = arith.addi %mul3A_14, %add3A_187 : i32
      %dma_start3A_189 = arith.constant 0 : i32
      %dma_start3A_190 = tpu.memref_slice %arg3[%add3A_188, %dma_start3A_189] : memref<10000x128xf32, #tpu.memory_space<hbm>> -> memref<200x128xf32, #tpu.memory_space<hbm>>
      %dma_start3A_191 = arith.constant 0 : i32
      %dma_start3A_192 = tpu.memref_slice %arg3[%add3A_188, %dma_start3A_191] : memref<10000x128xf32, #tpu.memory_space<hbm>> -> memref<200x128xf32, #tpu.memory_space<hbm>>
      tpu.enqueue_dma source(%dma_start3A_192 : memref<200x128xf32, #tpu.memory_space<hbm>>) target(%arg6 : memref<200x128xf32, #tpu.memory_space<vmem>>) target_semaphore(%arg8 : memref<!tpu.dma_semaphore, #tpu.memory_space<semaphore_mem>>)
      %add3A_193 = arith.constant 1400 : i32
      %add3A_194 = arith.addi %mul3A_14, %add3A_193 : i32
      %dma_wait3A_195 = arith.constant 0 : i32
      %dma_wait3A_196 = tpu.memref_slice %arg3[%add3A_194, %dma_wait3A_195] : memref<10000x128xf32, #tpu.memory_space<hbm>> -> memref<200x128xf32, #tpu.memory_space<hbm>>
      %dma_wait3A_197 = arith.constant 0 : i32
      %dma_wait3A_198 = tpu.memref_slice %arg3[%add3A_194, %dma_wait3A_197] : memref<10000x128xf32, #tpu.memory_space<hbm>> -> memref<200x128xf32, #tpu.memory_space<hbm>>
      tpu.wait_dma2 semaphore(%arg9 : memref<!tpu.dma_semaphore, #tpu.memory_space<semaphore_mem>>) src(%dma_wait3A_198 : memref<200x128xf32, #tpu.memory_space<hbm>>) dst(%arg7 : memref<200x128xf32, #tpu.memory_space<vmem>>)
      %add3A_199 = arith.constant 1400 : i32
      %add3A_200 = arith.addi %mul3A_14, %add3A_199 : i32
      %dma_start3A_201 = arith.constant 0 : i32
      %dma_start3A_202 = tpu.memref_slice %arg5[%add3A_200, %dma_start3A_201] : memref<10000x128xf32, #tpu.memory_space<hbm>> -> memref<200x128xf32, #tpu.memory_space<hbm>>
      %dma_start3A_203 = arith.constant 0 : i32
      %dma_start3A_204 = tpu.memref_slice %arg5[%add3A_200, %dma_start3A_203] : memref<10000x128xf32, #tpu.memory_space<hbm>> -> memref<200x128xf32, #tpu.memory_space<hbm>>
      tpu.enqueue_dma source(%arg7 : memref<200x128xf32, #tpu.memory_space<vmem>>) target(%dma_start3A_204 : memref<200x128xf32, #tpu.memory_space<hbm>>) target_semaphore(%arg11 : memref<!tpu.dma_semaphore, #tpu.memory_space<semaphore_mem>>)
      %add3A_205 = arith.constant 1400 : i32
      %add3A_206 = arith.addi %mul3A_14, %add3A_205 : i32
      %dma_wait3A_207 = arith.constant 0 : i32
      %dma_wait3A_208 = tpu.memref_slice %arg5[%add3A_206, %dma_wait3A_207] : memref<10000x128xf32, #tpu.memory_space<hbm>> -> memref<200x128xf32, #tpu.memory_space<hbm>>
      %dma_wait3A_209 = arith.constant 0 : i32
      %dma_wait3A_210 = tpu.memref_slice %arg5[%add3A_206, %dma_wait3A_209] : memref<10000x128xf32, #tpu.memory_space<hbm>> -> memref<200x128xf32, #tpu.memory_space<hbm>>
      tpu.wait_dma2 semaphore(%arg11 : memref<!tpu.dma_semaphore, #tpu.memory_space<semaphore_mem>>) src(%arg7 : memref<200x128xf32, #tpu.memory_space<vmem>>) dst(%dma_wait3A_210 : memref<200x128xf32, #tpu.memory_space<hbm>>)
      %add3A_211 = arith.constant 1800 : i32
      %add3A_212 = arith.addi %mul3A_14, %add3A_211 : i32
      %dma_start3A_213 = arith.constant 0 : i32
      %dma_start3A_214 = tpu.memref_slice %arg3[%add3A_212, %dma_start3A_213] : memref<10000x128xf32, #tpu.memory_space<hbm>> -> memref<200x128xf32, #tpu.memory_space<hbm>>
      %dma_start3A_215 = arith.constant 0 : i32
      %dma_start3A_216 = tpu.memref_slice %arg3[%add3A_212, %dma_start3A_215] : memref<10000x128xf32, #tpu.memory_space<hbm>> -> memref<200x128xf32, #tpu.memory_space<hbm>>
      tpu.enqueue_dma source(%dma_start3A_216 : memref<200x128xf32, #tpu.memory_space<hbm>>) target(%arg7 : memref<200x128xf32, #tpu.memory_space<vmem>>) target_semaphore(%arg9 : memref<!tpu.dma_semaphore, #tpu.memory_space<semaphore_mem>>)
      %add3A_217 = arith.constant 1600 : i32
      %add3A_218 = arith.addi %mul3A_14, %add3A_217 : i32
      %dma_wait3A_219 = arith.constant 0 : i32
      %dma_wait3A_220 = tpu.memref_slice %arg3[%add3A_218, %dma_wait3A_219] : memref<10000x128xf32, #tpu.memory_space<hbm>> -> memref<200x128xf32, #tpu.memory_space<hbm>>
      %dma_wait3A_221 = arith.constant 0 : i32
      %dma_wait3A_222 = tpu.memref_slice %arg3[%add3A_218, %dma_wait3A_221] : memref<10000x128xf32, #tpu.memory_space<hbm>> -> memref<200x128xf32, #tpu.memory_space<hbm>>
      tpu.wait_dma2 semaphore(%arg8 : memref<!tpu.dma_semaphore, #tpu.memory_space<semaphore_mem>>) src(%dma_wait3A_222 : memref<200x128xf32, #tpu.memory_space<hbm>>) dst(%arg6 : memref<200x128xf32, #tpu.memory_space<vmem>>)
      %add3A_223 = arith.constant 1600 : i32
      %add3A_224 = arith.addi %mul3A_14, %add3A_223 : i32
      %dma_start3A_225 = arith.constant 0 : i32
      %dma_start3A_226 = tpu.memref_slice %arg5[%add3A_224, %dma_start3A_225] : memref<10000x128xf32, #tpu.memory_space<hbm>> -> memref<200x128xf32, #tpu.memory_space<hbm>>
      %dma_start3A_227 = arith.constant 0 : i32
      %dma_start3A_228 = tpu.memref_slice %arg5[%add3A_224, %dma_start3A_227] : memref<10000x128xf32, #tpu.memory_space<hbm>> -> memref<200x128xf32, #tpu.memory_space<hbm>>
      tpu.enqueue_dma source(%arg6 : memref<200x128xf32, #tpu.memory_space<vmem>>) target(%dma_start3A_228 : memref<200x128xf32, #tpu.memory_space<hbm>>) target_semaphore(%arg10 : memref<!tpu.dma_semaphore, #tpu.memory_space<semaphore_mem>>)
      %add3A_229 = arith.constant 1800 : i32
      %add3A_230 = arith.addi %mul3A_14, %add3A_229 : i32
      %dma_wait3A_231 = arith.constant 0 : i32
      %dma_wait3A_232 = tpu.memref_slice %arg3[%add3A_230, %dma_wait3A_231] : memref<10000x128xf32, #tpu.memory_space<hbm>> -> memref<200x128xf32, #tpu.memory_space<hbm>>
      %dma_wait3A_233 = arith.constant 0 : i32
      %dma_wait3A_234 = tpu.memref_slice %arg3[%add3A_230, %dma_wait3A_233] : memref<10000x128xf32, #tpu.memory_space<hbm>> -> memref<200x128xf32, #tpu.memory_space<hbm>>
      tpu.wait_dma2 semaphore(%arg9 : memref<!tpu.dma_semaphore, #tpu.memory_space<semaphore_mem>>) src(%dma_wait3A_234 : memref<200x128xf32, #tpu.memory_space<hbm>>) dst(%arg7 : memref<200x128xf32, #tpu.memory_space<vmem>>)
      %add3A_235 = arith.constant 1800 : i32
      %add3A_236 = arith.addi %mul3A_14, %add3A_235 : i32
      %dma_start3A_237 = arith.constant 0 : i32
      %dma_start3A_238 = tpu.memref_slice %arg5[%add3A_236, %dma_start3A_237] : memref<10000x128xf32, #tpu.memory_space<hbm>> -> memref<200x128xf32, #tpu.memory_space<hbm>>
      %dma_start3A_239 = arith.constant 0 : i32
      %dma_start3A_240 = tpu.memref_slice %arg5[%add3A_236, %dma_start3A_239] : memref<10000x128xf32, #tpu.memory_space<hbm>> -> memref<200x128xf32, #tpu.memory_space<hbm>>
      tpu.enqueue_dma source(%arg7 : memref<200x128xf32, #tpu.memory_space<vmem>>) target(%dma_start3A_240 : memref<200x128xf32, #tpu.memory_space<hbm>>) target_semaphore(%arg11 : memref<!tpu.dma_semaphore, #tpu.memory_space<semaphore_mem>>)
      %add3A_241 = arith.constant 1600 : i32
      %add3A_242 = arith.addi %mul3A_14, %add3A_241 : i32
      %dma_wait3A_243 = arith.constant 0 : i32
      %dma_wait3A_244 = tpu.memref_slice %arg5[%add3A_242, %dma_wait3A_243] : memref<10000x128xf32, #tpu.memory_space<hbm>> -> memref<200x128xf32, #tpu.memory_space<hbm>>
      %dma_wait3A_245 = arith.constant 0 : i32
      %dma_wait3A_246 = tpu.memref_slice %arg5[%add3A_242, %dma_wait3A_245] : memref<10000x128xf32, #tpu.memory_space<hbm>> -> memref<200x128xf32, #tpu.memory_space<hbm>>
      tpu.wait_dma2 semaphore(%arg10 : memref<!tpu.dma_semaphore, #tpu.memory_space<semaphore_mem>>) src(%arg6 : memref<200x128xf32, #tpu.memory_space<vmem>>) dst(%dma_wait3A_246 : memref<200x128xf32, #tpu.memory_space<hbm>>)
      %add3A_247 = arith.constant 1800 : i32
      %add3A_248 = arith.addi %mul3A_14, %add3A_247 : i32
      %dma_wait3A_249 = arith.constant 0 : i32
      %dma_wait3A_250 = tpu.memref_slice %arg5[%add3A_248, %dma_wait3A_249] : memref<10000x128xf32, #tpu.memory_space<hbm>> -> memref<200x128xf32, #tpu.memory_space<hbm>>
      %dma_wait3A_251 = arith.constant 0 : i32
      %dma_wait3A_252 = tpu.memref_slice %arg5[%add3A_248, %dma_wait3A_251] : memref<10000x128xf32, #tpu.memory_space<hbm>> -> memref<200x128xf32, #tpu.memory_space<hbm>>
      tpu.wait_dma2 semaphore(%arg11 : memref<!tpu.dma_semaphore, #tpu.memory_space<semaphore_mem>>) src(%arg7 : memref<200x128xf32, #tpu.memory_space<vmem>>) dst(%dma_wait3A_252 : memref<200x128xf32, #tpu.memory_space<hbm>>)
    } else {
    }
    return
  }
}

module attributes {stable_mosaic.version = 14 : i64} {
  func.func @_tc_pipeline(%arg0: memref<100000x128xf32, #tpu.memory_space<hbm>>, %arg1: memref<100000x128xf32, #tpu.memory_space<hbm>>, %arg2: memref<12500x128xf32, #tpu.memory_space<vmem>>, %arg3: memref<12500x128xf32, #tpu.memory_space<vmem>>, %arg4: memref<12500x128xf32, #tpu.memory_space<vmem>>, %arg5: memref<12500x128xf32, #tpu.memory_space<vmem>>, %arg6: memref<!tpu.dma_semaphore, #tpu.memory_space<semaphore_mem>>, %arg7: memref<!tpu.dma_semaphore, #tpu.memory_space<semaphore_mem>>, %arg8: memref<!tpu.dma_semaphore, #tpu.memory_space<semaphore_mem>>, %arg9: memref<!tpu.dma_semaphore, #tpu.memory_space<semaphore_mem>>, %arg10: memref<!tpu.dma_semaphore, #tpu.memory_space<semaphore_mem>>, %arg11: memref<!tpu.dma_semaphore, #tpu.memory_space<semaphore_mem>>, %arg12: memref<!tpu.dma_semaphore, #tpu.memory_space<semaphore_mem>>, %arg13: memref<!tpu.dma_semaphore, #tpu.memory_space<semaphore_mem>>) attributes {dimension_semantics = [], scalar_prefetch = 0 : i64, scratch_operands = 12 : i64, tpu.core_type = #tpu.core_type<tc>} {
    %dma_start3A = arith.constant 0 : i32
    %dma_start3A_0 = arith.constant 0 : i32
    %dma_start3A_1 = tpu.memref_slice %arg0[%dma_start3A, %dma_start3A_0] : memref<100000x128xf32, #tpu.memory_space<hbm>> -> memref<12500x128xf32, #tpu.memory_space<hbm>>
    tpu.enqueue_dma source(%dma_start3A_1 : memref<12500x128xf32, #tpu.memory_space<hbm>>) target(%arg2 : memref<12500x128xf32, #tpu.memory_space<vmem>>) target_semaphore(%arg6 : memref<!tpu.dma_semaphore, #tpu.memory_space<semaphore_mem>>)
    %dma_start3A_2 = arith.constant 12500 : i32
    %dma_start3A_3 = arith.constant 0 : i32
    %dma_start3A_4 = tpu.memref_slice %arg0[%dma_start3A_2, %dma_start3A_3] : memref<100000x128xf32, #tpu.memory_space<hbm>> -> memref<12500x128xf32, #tpu.memory_space<hbm>>
    tpu.enqueue_dma source(%dma_start3A_4 : memref<12500x128xf32, #tpu.memory_space<hbm>>) target(%arg3 : memref<12500x128xf32, #tpu.memory_space<vmem>>) target_semaphore(%arg7 : memref<!tpu.dma_semaphore, #tpu.memory_space<semaphore_mem>>)
    %dma_start3A_5 = arith.constant 25000 : i32
    %dma_start3A_6 = arith.constant 0 : i32
    %dma_start3A_7 = tpu.memref_slice %arg0[%dma_start3A_5, %dma_start3A_6] : memref<100000x128xf32, #tpu.memory_space<hbm>> -> memref<12500x128xf32, #tpu.memory_space<hbm>>
    tpu.enqueue_dma source(%dma_start3A_7 : memref<12500x128xf32, #tpu.memory_space<hbm>>) target(%arg4 : memref<12500x128xf32, #tpu.memory_space<vmem>>) target_semaphore(%arg8 : memref<!tpu.dma_semaphore, #tpu.memory_space<semaphore_mem>>)
    %dma_wait3A = arith.constant 0 : i32
    %dma_wait3A_8 = arith.constant 0 : i32
    %dma_wait3A_9 = tpu.memref_slice %arg0[%dma_wait3A, %dma_wait3A_8] : memref<100000x128xf32, #tpu.memory_space<hbm>> -> memref<12500x128xf32, #tpu.memory_space<hbm>>
    tpu.wait_dma2 semaphore(%arg6 : memref<!tpu.dma_semaphore, #tpu.memory_space<semaphore_mem>>) src(%dma_wait3A_9 : memref<12500x128xf32, #tpu.memory_space<hbm>>) dst(%arg2 : memref<12500x128xf32, #tpu.memory_space<vmem>>)
    %dma_start3A_10 = arith.constant 0 : i32
    %dma_start3A_11 = arith.constant 0 : i32
    %dma_start3A_12 = tpu.memref_slice %arg1[%dma_start3A_10, %dma_start3A_11] : memref<100000x128xf32, #tpu.memory_space<hbm>> -> memref<12500x128xf32, #tpu.memory_space<hbm>>
    tpu.enqueue_dma source(%arg2 : memref<12500x128xf32, #tpu.memory_space<vmem>>) target(%dma_start3A_12 : memref<12500x128xf32, #tpu.memory_space<hbm>>) target_semaphore(%arg10 : memref<!tpu.dma_semaphore, #tpu.memory_space<semaphore_mem>>)
    %dma_start3A_13 = arith.constant 37500 : i32
    %dma_start3A_14 = arith.constant 0 : i32
    %dma_start3A_15 = tpu.memref_slice %arg0[%dma_start3A_13, %dma_start3A_14] : memref<100000x128xf32, #tpu.memory_space<hbm>> -> memref<12500x128xf32, #tpu.memory_space<hbm>>
    tpu.enqueue_dma source(%dma_start3A_15 : memref<12500x128xf32, #tpu.memory_space<hbm>>) target(%arg5 : memref<12500x128xf32, #tpu.memory_space<vmem>>) target_semaphore(%arg9 : memref<!tpu.dma_semaphore, #tpu.memory_space<semaphore_mem>>)
    %dma_wait3A_16 = arith.constant 12500 : i32
    %dma_wait3A_17 = arith.constant 0 : i32
    %dma_wait3A_18 = tpu.memref_slice %arg0[%dma_wait3A_16, %dma_wait3A_17] : memref<100000x128xf32, #tpu.memory_space<hbm>> -> memref<12500x128xf32, #tpu.memory_space<hbm>>
    tpu.wait_dma2 semaphore(%arg7 : memref<!tpu.dma_semaphore, #tpu.memory_space<semaphore_mem>>) src(%dma_wait3A_18 : memref<12500x128xf32, #tpu.memory_space<hbm>>) dst(%arg3 : memref<12500x128xf32, #tpu.memory_space<vmem>>)
    %dma_start3A_19 = arith.constant 12500 : i32
    %dma_start3A_20 = arith.constant 0 : i32
    %dma_start3A_21 = tpu.memref_slice %arg1[%dma_start3A_19, %dma_start3A_20] : memref<100000x128xf32, #tpu.memory_space<hbm>> -> memref<12500x128xf32, #tpu.memory_space<hbm>>
    tpu.enqueue_dma source(%arg3 : memref<12500x128xf32, #tpu.memory_space<vmem>>) target(%dma_start3A_21 : memref<12500x128xf32, #tpu.memory_space<hbm>>) target_semaphore(%arg11 : memref<!tpu.dma_semaphore, #tpu.memory_space<semaphore_mem>>)
    %dma_wait3A_22 = arith.constant 0 : i32
    %dma_wait3A_23 = arith.constant 0 : i32
    %dma_wait3A_24 = tpu.memref_slice %arg1[%dma_wait3A_22, %dma_wait3A_23] : memref<100000x128xf32, #tpu.memory_space<hbm>> -> memref<12500x128xf32, #tpu.memory_space<hbm>>
    tpu.wait_dma2 semaphore(%arg10 : memref<!tpu.dma_semaphore, #tpu.memory_space<semaphore_mem>>) src(%arg2 : memref<12500x128xf32, #tpu.memory_space<vmem>>) dst(%dma_wait3A_24 : memref<12500x128xf32, #tpu.memory_space<hbm>>)
    %dma_start3A_25 = arith.constant 50000 : i32
    %dma_start3A_26 = arith.constant 0 : i32
    %dma_start3A_27 = tpu.memref_slice %arg0[%dma_start3A_25, %dma_start3A_26] : memref<100000x128xf32, #tpu.memory_space<hbm>> -> memref<12500x128xf32, #tpu.memory_space<hbm>>
    tpu.enqueue_dma source(%dma_start3A_27 : memref<12500x128xf32, #tpu.memory_space<hbm>>) target(%arg2 : memref<12500x128xf32, #tpu.memory_space<vmem>>) target_semaphore(%arg6 : memref<!tpu.dma_semaphore, #tpu.memory_space<semaphore_mem>>)
    %dma_wait3A_28 = arith.constant 25000 : i32
    %dma_wait3A_29 = arith.constant 0 : i32
    %dma_wait3A_30 = tpu.memref_slice %arg0[%dma_wait3A_28, %dma_wait3A_29] : memref<100000x128xf32, #tpu.memory_space<hbm>> -> memref<12500x128xf32, #tpu.memory_space<hbm>>
    tpu.wait_dma2 semaphore(%arg8 : memref<!tpu.dma_semaphore, #tpu.memory_space<semaphore_mem>>) src(%dma_wait3A_30 : memref<12500x128xf32, #tpu.memory_space<hbm>>) dst(%arg4 : memref<12500x128xf32, #tpu.memory_space<vmem>>)
    %dma_start3A_31 = arith.constant 25000 : i32
    %dma_start3A_32 = arith.constant 0 : i32
    %dma_start3A_33 = tpu.memref_slice %arg1[%dma_start3A_31, %dma_start3A_32] : memref<100000x128xf32, #tpu.memory_space<hbm>> -> memref<12500x128xf32, #tpu.memory_space<hbm>>
    tpu.enqueue_dma source(%arg4 : memref<12500x128xf32, #tpu.memory_space<vmem>>) target(%dma_start3A_33 : memref<12500x128xf32, #tpu.memory_space<hbm>>) target_semaphore(%arg12 : memref<!tpu.dma_semaphore, #tpu.memory_space<semaphore_mem>>)
    %dma_wait3A_34 = arith.constant 12500 : i32
    %dma_wait3A_35 = arith.constant 0 : i32
    %dma_wait3A_36 = tpu.memref_slice %arg1[%dma_wait3A_34, %dma_wait3A_35] : memref<100000x128xf32, #tpu.memory_space<hbm>> -> memref<12500x128xf32, #tpu.memory_space<hbm>>
    tpu.wait_dma2 semaphore(%arg11 : memref<!tpu.dma_semaphore, #tpu.memory_space<semaphore_mem>>) src(%arg3 : memref<12500x128xf32, #tpu.memory_space<vmem>>) dst(%dma_wait3A_36 : memref<12500x128xf32, #tpu.memory_space<hbm>>)
    %dma_start3A_37 = arith.constant 62500 : i32
    %dma_start3A_38 = arith.constant 0 : i32
    %dma_start3A_39 = tpu.memref_slice %arg0[%dma_start3A_37, %dma_start3A_38] : memref<100000x128xf32, #tpu.memory_space<hbm>> -> memref<12500x128xf32, #tpu.memory_space<hbm>>
    tpu.enqueue_dma source(%dma_start3A_39 : memref<12500x128xf32, #tpu.memory_space<hbm>>) target(%arg3 : memref<12500x128xf32, #tpu.memory_space<vmem>>) target_semaphore(%arg7 : memref<!tpu.dma_semaphore, #tpu.memory_space<semaphore_mem>>)
    %dma_wait3A_40 = arith.constant 37500 : i32
    %dma_wait3A_41 = arith.constant 0 : i32
    %dma_wait3A_42 = tpu.memref_slice %arg0[%dma_wait3A_40, %dma_wait3A_41] : memref<100000x128xf32, #tpu.memory_space<hbm>> -> memref<12500x128xf32, #tpu.memory_space<hbm>>
    tpu.wait_dma2 semaphore(%arg9 : memref<!tpu.dma_semaphore, #tpu.memory_space<semaphore_mem>>) src(%dma_wait3A_42 : memref<12500x128xf32, #tpu.memory_space<hbm>>) dst(%arg5 : memref<12500x128xf32, #tpu.memory_space<vmem>>)
    %dma_start3A_43 = arith.constant 37500 : i32
    %dma_start3A_44 = arith.constant 0 : i32
    %dma_start3A_45 = tpu.memref_slice %arg1[%dma_start3A_43, %dma_start3A_44] : memref<100000x128xf32, #tpu.memory_space<hbm>> -> memref<12500x128xf32, #tpu.memory_space<hbm>>
    tpu.enqueue_dma source(%arg5 : memref<12500x128xf32, #tpu.memory_space<vmem>>) target(%dma_start3A_45 : memref<12500x128xf32, #tpu.memory_space<hbm>>) target_semaphore(%arg13 : memref<!tpu.dma_semaphore, #tpu.memory_space<semaphore_mem>>)
    %dma_wait3A_46 = arith.constant 25000 : i32
    %dma_wait3A_47 = arith.constant 0 : i32
    %dma_wait3A_48 = tpu.memref_slice %arg1[%dma_wait3A_46, %dma_wait3A_47] : memref<100000x128xf32, #tpu.memory_space<hbm>> -> memref<12500x128xf32, #tpu.memory_space<hbm>>
    tpu.wait_dma2 semaphore(%arg12 : memref<!tpu.dma_semaphore, #tpu.memory_space<semaphore_mem>>) src(%arg4 : memref<12500x128xf32, #tpu.memory_space<vmem>>) dst(%dma_wait3A_48 : memref<12500x128xf32, #tpu.memory_space<hbm>>)
    %dma_start3A_49 = arith.constant 75000 : i32
    %dma_start3A_50 = arith.constant 0 : i32
    %dma_start3A_51 = tpu.memref_slice %arg0[%dma_start3A_49, %dma_start3A_50] : memref<100000x128xf32, #tpu.memory_space<hbm>> -> memref<12500x128xf32, #tpu.memory_space<hbm>>
    tpu.enqueue_dma source(%dma_start3A_51 : memref<12500x128xf32, #tpu.memory_space<hbm>>) target(%arg4 : memref<12500x128xf32, #tpu.memory_space<vmem>>) target_semaphore(%arg8 : memref<!tpu.dma_semaphore, #tpu.memory_space<semaphore_mem>>)
    %dma_wait3A_52 = arith.constant 50000 : i32
    %dma_wait3A_53 = arith.constant 0 : i32
    %dma_wait3A_54 = tpu.memref_slice %arg0[%dma_wait3A_52, %dma_wait3A_53] : memref<100000x128xf32, #tpu.memory_space<hbm>> -> memref<12500x128xf32, #tpu.memory_space<hbm>>
    tpu.wait_dma2 semaphore(%arg6 : memref<!tpu.dma_semaphore, #tpu.memory_space<semaphore_mem>>) src(%dma_wait3A_54 : memref<12500x128xf32, #tpu.memory_space<hbm>>) dst(%arg2 : memref<12500x128xf32, #tpu.memory_space<vmem>>)
    %dma_start3A_55 = arith.constant 50000 : i32
    %dma_start3A_56 = arith.constant 0 : i32
    %dma_start3A_57 = tpu.memref_slice %arg1[%dma_start3A_55, %dma_start3A_56] : memref<100000x128xf32, #tpu.memory_space<hbm>> -> memref<12500x128xf32, #tpu.memory_space<hbm>>
    tpu.enqueue_dma source(%arg2 : memref<12500x128xf32, #tpu.memory_space<vmem>>) target(%dma_start3A_57 : memref<12500x128xf32, #tpu.memory_space<hbm>>) target_semaphore(%arg10 : memref<!tpu.dma_semaphore, #tpu.memory_space<semaphore_mem>>)
    %dma_wait3A_58 = arith.constant 37500 : i32
    %dma_wait3A_59 = arith.constant 0 : i32
    %dma_wait3A_60 = tpu.memref_slice %arg1[%dma_wait3A_58, %dma_wait3A_59] : memref<100000x128xf32, #tpu.memory_space<hbm>> -> memref<12500x128xf32, #tpu.memory_space<hbm>>
    tpu.wait_dma2 semaphore(%arg13 : memref<!tpu.dma_semaphore, #tpu.memory_space<semaphore_mem>>) src(%arg5 : memref<12500x128xf32, #tpu.memory_space<vmem>>) dst(%dma_wait3A_60 : memref<12500x128xf32, #tpu.memory_space<hbm>>)
    %dma_start3A_61 = arith.constant 87500 : i32
    %dma_start3A_62 = arith.constant 0 : i32
    %dma_start3A_63 = tpu.memref_slice %arg0[%dma_start3A_61, %dma_start3A_62] : memref<100000x128xf32, #tpu.memory_space<hbm>> -> memref<12500x128xf32, #tpu.memory_space<hbm>>
    tpu.enqueue_dma source(%dma_start3A_63 : memref<12500x128xf32, #tpu.memory_space<hbm>>) target(%arg5 : memref<12500x128xf32, #tpu.memory_space<vmem>>) target_semaphore(%arg9 : memref<!tpu.dma_semaphore, #tpu.memory_space<semaphore_mem>>)
    %dma_wait3A_64 = arith.constant 62500 : i32
    %dma_wait3A_65 = arith.constant 0 : i32
    %dma_wait3A_66 = tpu.memref_slice %arg0[%dma_wait3A_64, %dma_wait3A_65] : memref<100000x128xf32, #tpu.memory_space<hbm>> -> memref<12500x128xf32, #tpu.memory_space<hbm>>
    tpu.wait_dma2 semaphore(%arg7 : memref<!tpu.dma_semaphore, #tpu.memory_space<semaphore_mem>>) src(%dma_wait3A_66 : memref<12500x128xf32, #tpu.memory_space<hbm>>) dst(%arg3 : memref<12500x128xf32, #tpu.memory_space<vmem>>)
    %dma_start3A_67 = arith.constant 62500 : i32
    %dma_start3A_68 = arith.constant 0 : i32
    %dma_start3A_69 = tpu.memref_slice %arg1[%dma_start3A_67, %dma_start3A_68] : memref<100000x128xf32, #tpu.memory_space<hbm>> -> memref<12500x128xf32, #tpu.memory_space<hbm>>
    tpu.enqueue_dma source(%arg3 : memref<12500x128xf32, #tpu.memory_space<vmem>>) target(%dma_start3A_69 : memref<12500x128xf32, #tpu.memory_space<hbm>>) target_semaphore(%arg11 : memref<!tpu.dma_semaphore, #tpu.memory_space<semaphore_mem>>)
    %dma_wait3A_70 = arith.constant 75000 : i32
    %dma_wait3A_71 = arith.constant 0 : i32
    %dma_wait3A_72 = tpu.memref_slice %arg0[%dma_wait3A_70, %dma_wait3A_71] : memref<100000x128xf32, #tpu.memory_space<hbm>> -> memref<12500x128xf32, #tpu.memory_space<hbm>>
    tpu.wait_dma2 semaphore(%arg8 : memref<!tpu.dma_semaphore, #tpu.memory_space<semaphore_mem>>) src(%dma_wait3A_72 : memref<12500x128xf32, #tpu.memory_space<hbm>>) dst(%arg4 : memref<12500x128xf32, #tpu.memory_space<vmem>>)
    %dma_start3A_73 = arith.constant 75000 : i32
    %dma_start3A_74 = arith.constant 0 : i32
    %dma_start3A_75 = tpu.memref_slice %arg1[%dma_start3A_73, %dma_start3A_74] : memref<100000x128xf32, #tpu.memory_space<hbm>> -> memref<12500x128xf32, #tpu.memory_space<hbm>>
    tpu.enqueue_dma source(%arg4 : memref<12500x128xf32, #tpu.memory_space<vmem>>) target(%dma_start3A_75 : memref<12500x128xf32, #tpu.memory_space<hbm>>) target_semaphore(%arg12 : memref<!tpu.dma_semaphore, #tpu.memory_space<semaphore_mem>>)
    %dma_wait3A_76 = arith.constant 87500 : i32
    %dma_wait3A_77 = arith.constant 0 : i32
    %dma_wait3A_78 = tpu.memref_slice %arg0[%dma_wait3A_76, %dma_wait3A_77] : memref<100000x128xf32, #tpu.memory_space<hbm>> -> memref<12500x128xf32, #tpu.memory_space<hbm>>
    tpu.wait_dma2 semaphore(%arg9 : memref<!tpu.dma_semaphore, #tpu.memory_space<semaphore_mem>>) src(%dma_wait3A_78 : memref<12500x128xf32, #tpu.memory_space<hbm>>) dst(%arg5 : memref<12500x128xf32, #tpu.memory_space<vmem>>)
    %dma_start3A_79 = arith.constant 87500 : i32
    %dma_start3A_80 = arith.constant 0 : i32
    %dma_start3A_81 = tpu.memref_slice %arg1[%dma_start3A_79, %dma_start3A_80] : memref<100000x128xf32, #tpu.memory_space<hbm>> -> memref<12500x128xf32, #tpu.memory_space<hbm>>
    tpu.enqueue_dma source(%arg5 : memref<12500x128xf32, #tpu.memory_space<vmem>>) target(%dma_start3A_81 : memref<12500x128xf32, #tpu.memory_space<hbm>>) target_semaphore(%arg13 : memref<!tpu.dma_semaphore, #tpu.memory_space<semaphore_mem>>)
    %dma_wait3A_82 = arith.constant 50000 : i32
    %dma_wait3A_83 = arith.constant 0 : i32
    %dma_wait3A_84 = tpu.memref_slice %arg1[%dma_wait3A_82, %dma_wait3A_83] : memref<100000x128xf32, #tpu.memory_space<hbm>> -> memref<12500x128xf32, #tpu.memory_space<hbm>>
    tpu.wait_dma2 semaphore(%arg10 : memref<!tpu.dma_semaphore, #tpu.memory_space<semaphore_mem>>) src(%arg2 : memref<12500x128xf32, #tpu.memory_space<vmem>>) dst(%dma_wait3A_84 : memref<12500x128xf32, #tpu.memory_space<hbm>>)
    %dma_wait3A_85 = arith.constant 62500 : i32
    %dma_wait3A_86 = arith.constant 0 : i32
    %dma_wait3A_87 = tpu.memref_slice %arg1[%dma_wait3A_85, %dma_wait3A_86] : memref<100000x128xf32, #tpu.memory_space<hbm>> -> memref<12500x128xf32, #tpu.memory_space<hbm>>
    tpu.wait_dma2 semaphore(%arg11 : memref<!tpu.dma_semaphore, #tpu.memory_space<semaphore_mem>>) src(%arg3 : memref<12500x128xf32, #tpu.memory_space<vmem>>) dst(%dma_wait3A_87 : memref<12500x128xf32, #tpu.memory_space<hbm>>)
    %dma_wait3A_88 = arith.constant 75000 : i32
    %dma_wait3A_89 = arith.constant 0 : i32
    %dma_wait3A_90 = tpu.memref_slice %arg1[%dma_wait3A_88, %dma_wait3A_89] : memref<100000x128xf32, #tpu.memory_space<hbm>> -> memref<12500x128xf32, #tpu.memory_space<hbm>>
    tpu.wait_dma2 semaphore(%arg12 : memref<!tpu.dma_semaphore, #tpu.memory_space<semaphore_mem>>) src(%arg4 : memref<12500x128xf32, #tpu.memory_space<vmem>>) dst(%dma_wait3A_90 : memref<12500x128xf32, #tpu.memory_space<hbm>>)
    %dma_wait3A_91 = arith.constant 87500 : i32
    %dma_wait3A_92 = arith.constant 0 : i32
    %dma_wait3A_93 = tpu.memref_slice %arg1[%dma_wait3A_91, %dma_wait3A_92] : memref<100000x128xf32, #tpu.memory_space<hbm>> -> memref<12500x128xf32, #tpu.memory_space<hbm>>
    tpu.wait_dma2 semaphore(%arg13 : memref<!tpu.dma_semaphore, #tpu.memory_space<semaphore_mem>>) src(%arg5 : memref<12500x128xf32, #tpu.memory_space<vmem>>) dst(%dma_wait3A_93 : memref<12500x128xf32, #tpu.memory_space<hbm>>)
    return
  }
}

</mosaic_0001>

<sc_bundles>
// kernel: kernel.4.cloned.1.call-start
scs
__scs_entry_jumppad:
0x0: {  	(pc) =	sbr.rel $0x88, $3  }
0x1: {  	(tag) =	ssettag $0x0;
	lr =	simm.s32 $0x1  }
0x2: {  	[smem:$0x3F9E] =	sst lr;
	_ =	strace $0xD0000000  }
0x3: {  	_ = 	snop  }
0x4: {  	_ = 	snop  }
0x5: {  	_ = 	snop  }
0x6: {  	_ = 	snop  }
0x7: {  	_ = 	snop  }
__scs_overlays_trampoline_lowered:
0x8: {  	[smem:$0x3FAD] =	sst s0  }
0x9: {  	[smem:$0x3FAE] =	sst s1  }
0xa: {  	[smem:$0x3FAF] =	sst s2  }
0xb: {  	[smem:$0x3FB0] =	sst s3  }
0xc: {  	[smem:$0x3FB1] =	sst s4  }
0xd: {  	[smem:$0x3FB2] =	sst s5  }
0xe: {  	[smem:$0x3FB3] =	sst s6  }
0xf: {  	[smem:$0x3FB4] =	sst s7  }
0x10: {  	[smem:$0x3FB5] =	sst s8  }
0x11: {  	[smem:$0x3FB6] =	sst s9;
	s0 =	simm.s32 @!p0 $0x0  }
0x12: {  	s1 =	sld [smem:$0x3F9C];
	s0 =	simm.s32 @p0 $0x1  }
0x13: {  	[smem:$0x3FB7] =	sst s0;
	s0 =	simm.s32 @!p1 $0x0  }
0x14: {  	s2 =	sld [smem:$0x3F9B];
	s0 =	simm.s32 @p1 $0x1  }
0x15: {  	[smem:$0x3FB8] =	sst s0;
	s0 =	simm.s32 @!p2 $0x0  }
0x16: {  	s3 =	sld [smem:$0x3FDB];
	s0 =	simm.s32 @p2 $0x1  }
0x17: {  	s4 =	simm.s32 $0x1BF5;
	[smem:$0x3FBA] =	sst s0  }
0x18: {  	s0 =	sld [smem:$0x3F9D];
	_ =	swait.ge [sflag:s4], $0x0  }
0x19: {  	s7 =	sld [smem:$0x3F9E]  }
0x1a: {  	s8 =	sadd.s32 $0xFFFFE003, lr  }
0x1b: {  	s9 =	sadd.s32 $0xFFFFFEF7, lr;
	s5 =	simm.s32 $0xFFFFFFFF;
	p2 =	slt.u32 s8, $0xFFFFF086  }
0x1c: {  	p1 =	slt.u32 s9, $0xF7A;
	s5 =	simm.s32 @!p2 $0x0  }
0x1d: {  	s5 =	simm.s32 @p1 $0x1;
	p0 =	seq.s32 s7, s2  }
0x1e: {  	s7 =	smul.u32 @!p0 $0xF7A, s2;
	p2 =	seq.s32 @!p0 s5, $0x0  }
0x1f: {  	s9 =	smul.u32 $0xF7A, s1;
	s8 =	simm.s32 @!p0 $0x1BF5;
	p2 =	por !p2, p0  }
0x20: {  	[sflag:s8] =	ssyncset.s32 @!p0 $0xFFFFF086;
	s6 =	sadd.s32 @!p0 s3, s7;
	s7 =	simm.s32 @!p0 $0x108  }
0x21: {  	s3 =	sadd.s32 s3, s9;
	s6 =	sadd.s32 @!p0 $0x88, s6;
	s7 =	simm.s32 @p2 $0x1082  }
0x22: {  	[simem:s7], [sflag:s8] =	dma.local @!p0 [hbm:s6], $0xF7A  }
0x23: {  	s9 =	sor.u32 $0xD0000000, s2;
	s6 =	simm.s32 $0x108;
	_ =	swait.ge @!p0 [sflag:s8], $0x0  }
0x24: {  	s3 =	sadd.s32 $0x88, s3;
	s6 =	simm.s32 @!p1 $0x1082;
	[sflag:s4] =	ssyncset.s32 $0xFFFFF086  }
0x25: {  	[simem:s6], [sflag:s4] =	dma.local [hbm:s3], $0xF7A  }
0x26: {  	[smem:$0x3F9E] =	sst s1;
	(tag) =	ssettag s2;
	_ =	strace s9  }
0x27: {  	s1 =	sld [smem:$0x3FAE]  }
0x28: {  	s2 =	sld [smem:$0x3FAF]  }
0x29: {  	s4 =	sld [smem:$0x3FB1]  }
0x2a: {  	p0 =	seq.s32 s5, $0x0;
	s5 =	sld [smem:$0x3FB2]  }
0x2b: {  	s6 =	sld [smem:$0x3FB3]  }
0x2c: {  	s7 =	sld [smem:$0x3FB4]  }
0x2d: {  	s3 =	simm.s32 $0x108;
	s8 =	sld [smem:$0x3FB5]  }
0x2e: {  	s3 =	simm.s32 @!p0 $0x1082;
	s9 =	sld [smem:$0x3FB6]  }
0x2f: {  	lr =	sadd.s32 s0, s3;
	s0 =	sld [smem:$0x3FAD]  }
0x30: {  	s3 =	sld [smem:$0x3FB0]  }
0x31: {  	[smem:$0x3FB9] =	sst s10  }
0x32: {  	s10 =	sld [smem:$0x3FB7];
	_ =	sdelay $0x3  }
0x33: {  	p0 =	seq.s32 s10, $0x1;
	s10 =	sld [smem:$0x3FB9];
	_ =	sdelay $0x3  }
0x34: {  	[smem:$0x3FB9] =	sst s10  }
0x35: {  	s10 =	sld [smem:$0x3FB8];
	_ =	sdelay $0x3  }
0x36: {  	p1 =	seq.s32 s10, $0x1;
	s10 =	sld [smem:$0x3FB9];
	_ =	sdelay $0x3  }
0x37: {  	[smem:$0x3FB9] =	sst s10  }
0x38: {  	s10 =	sld [smem:$0x3FBA]  }
0x39: {  	_ = 	snop;
	(pc) =	sbr.ind lr, $3  }
0x3a: {  	_ = 	snop  }
0x3b: {  	_ = 	snop  }
0x3c: {  	p2 =	seq.s32 s10, $0x1;
	s10 =	sld [smem:$0x3FB9]  }
0x3d: {  	_ =	shalt  }
0x3e: {  	_ =	shalt  }
0x3f: {  	_ =	shalt  }
0x40: {  	_ =	shalt  }
0x41: {  	_ =	shalt  }
0x42: {  	_ =	shalt  }
0x43: {  	_ =	shalt  }
0x44: {  	_ =	shalt  }
0x45: {  	_ =	shalt  }
0x46: {  	_ =	shalt  }
0x47: {  	_ =	shalt  }
0x48: {  	_ =	shalt  }
0x49: {  	_ =	shalt  }
0x4a: {  	_ =	shalt  }
0x4b: {  	_ =	shalt  }
0x4c: {  	_ =	shalt  }
0x4d: {  	_ =	shalt  }
0x4e: {  	_ =	shalt  }
0x4f: {  	_ =	shalt  }
0x50: {  	_ =	shalt  }
0x51: {  	_ =	shalt  }
0x52: {  	_ =	shalt  }
0x53: {  	_ =	shalt  }
0x54: {  	_ =	shalt  }
0x55: {  	_ =	shalt  }
0x56: {  	_ =	shalt  }
0x57: {  	_ =	shalt  }
0x58: {  	_ =	shalt  }
0x59: {  	_ =	shalt  }
0x5a: {  	_ =	shalt  }
0x5b: {  	_ =	shalt  }
0x5c: {  	_ =	shalt  }
0x5d: {  	_ =	shalt  }
0x5e: {  	_ =	shalt  }
0x5f: {  	_ =	shalt  }
0x60: {  	_ =	shalt  }
0x61: {  	_ =	shalt  }
0x62: {  	_ =	shalt  }
0x63: {  	_ =	shalt  }
0x64: {  	_ =	shalt  }
0x65: {  	_ =	shalt  }
0x66: {  	_ =	shalt  }
0x67: {  	_ =	shalt  }
0x68: {  	_ =	shalt  }
0x69: {  	_ =	shalt  }
0x6a: {  	_ =	shalt  }
0x6b: {  	_ =	shalt  }
0x6c: {  	_ =	shalt  }
0x6d: {  	_ =	shalt  }
0x6e: {  	_ =	shalt  }
0x6f: {  	_ =	shalt  }
0x70: {  	_ =	shalt  }
0x71: {  	_ =	shalt  }
0x72: {  	_ =	shalt  }
0x73: {  	_ =	shalt  }
0x74: {  	_ =	shalt  }
0x75: {  	_ =	shalt  }
0x76: {  	_ =	shalt  }
0x77: {  	_ =	shalt  }
0x78: {  	_ =	shalt  }
0x79: {  	_ =	shalt  }
0x7a: {  	_ =	shalt  }
0x7b: {  	_ =	shalt  }
0x7c: {  	_ =	shalt  }
0x7d: {  	_ =	shalt  }
0x7e: {  	_ =	shalt  }
0x7f: {  	_ =	shalt  }
0x80: {  	_ =	shalt  }
0x81: {  	_ =	shalt  }
0x82: {  	_ =	shalt  }
0x83: {  	_ =	shalt  }
0x84: {  	_ =	shalt  }
0x85: {  	_ =	shalt  }
0x86: {  	_ =	shalt  }
0x87: {  	_ =	shalt  }
.Lfunc_end0:
.L_simem_size_0:
called_computation_lowered:
.L_overlay_start_0:
0x88: {  	s2 =	sld [smem:$0x3FD9]  }
0x89: {  	s3 =	sld [smem:$0x3FFE];
	_ =	sdelay $0x1  }
0x8a: {  	s1 =	srdreg.scid  }
0x8b: {  	s0 =	sand.u32 $0x1, s1  }
0x8c: {  	s15 =	sshll.u32 s0, $0xA;
	s2 =	sadd.s32 s3, s2  }
0x8d: {  	s2 =	sadd.s32 s2, s15  }
0x8e: {  	[smem:$0x3FC5] =	sst s2  }
0x8f: {  	_ = 	snop  }
0x90: {  	s2 =	sld [smem:$0x3FD0];
	_ =	sdelay $0x1  }
0x91: {  	s16 =	sld [smem:$0x3FC8]  }
0x92: {  	s5 =	simm.s32 $0xA;
	s6 =	simm.s32 $0x10;
	s4 =	sld [smem:$0x3FC7]  }
0x93: {  	[smem:s6], [sflag:s5] =	dma.local [hbm:s2], $0x1  }
0x94: {  	_ =	swait.eq [sflag:s5], $0x1  }
0x95: {  	[sflag:s5] =	ssyncset.done $0x0  }
0x96: {  	s17 =	sld [smem:$0x11];
	[sflag:s5] =	ssyncadd.s32 $0xFFFFFFFF  }
0x97: {  	s18 =	sld [smem:$0x12];
	(tm) =	ssettm $0x1  }
0x98: {  	s19 =	sld [smem:$0x3FFB];
	_ =	sdelay $0x3  }
0x99: {  	_ =	strace s19  }
0x9a: {  	s6 =	sld [smem:$0x3FFC];
	_ =	sdelay $0x3  }
0x9b: {  	_ =	strace s6  }
0x9c: {  	s6 =	sld [smem:$0x3FFD];
	_ =	sdelay $0x3  }
0x9d: {  	_ =	strace s6  }
0x9e: {  	_ =	strace $0x8FFFFFFF  }
0x9f: {  	s20 =	sld [smem:$0x3FDB];
	_ =	sdelay $0x1  }
0xa0: {  	s7 =	simm.s32 $_scs_section_size  }
0xa1: {  	s8 =	simm.s32 $_size__tile_overlayer_lowered;
	s9 =	simm.s32 $_tile_overlayer_lowered  }
0xa2: {  	s23 =	simm.s32 $0x1BFF;
	s22 =	sshll.u32 s9, $0x1;
	s6 =	sadd.s32 s7, s20  }
0xa3: {  	s10 =	simm.s32 $0x0;
	s21 =	sshll.u32 s8, $0x1;
	s8 =	sadd.s32 s22, s6  }
0xa4: {  	[timem:s10], [sflag:s23] =	dma.local [hbm:s8], s21  }
0xa5: {  	_ =	swait.ge [sflag:s23], s21  }
0xa6: {  	s7 =	ssub.s32 $0x0, s21;
	[sflag:s23] =	ssyncset.done $0x0  }
0xa7: {  	[sflag:s23] =	ssyncadd.s32 s7;
	_ =	sdelay $0x1  }
0xa8: {  	s24 =	simm.s32 $0x1B8B  }
0xa9: {  	_ =	swait.ge [sflag:s24], $0x1  }
0xaa: {  	[sflag:s24] =	ssyncset.done $0x0  }
0xab: {  	s25 =	simm.s32 $0x1B8E;
	[sflag:s24] =	ssyncadd.s32 $0xFFFFFFFF  }
0xac: {  	s26 =	simm.s32 $execute0_lowered;
	[smem:$0x3FD2] =	sst s25  }
0xad: {  	s7 =	sshll.u32 s26, $0x1;
	_ =	strace $0x80000046;
	[dreg:$0x1] =	wrdreg $0xFFFFFFFF  }
0xae: {  	s28 =	simm.s32 $_size_execute0_lowered;
	s6 =	sadd.s32 s6, s7;
	[dreg:$0x0] =	wrdreg $0x0  }
0xaf: {  	s7 =	sshll.u32 s28, $0x1;
	[dreg:$0x2] =	wrdreg s6  }
0xb0: {  	[dreg:$0x3] =	wrdreg s7  }
0xb1: {  	[dreg:$0x4] =	wrdreg $0xC0  }
0xb2: {  	_ =	task [dreg:s10], $0x5FFFF  }
0xb3: {  	[dreg:$0x1] =	wrdreg $0xFFFFFFFF  }
0xb4: {  	[dreg:$0x0] =	wrdreg $0x60  }
0xb5: {  	[dreg:$0x2] =	wrdreg s16  }
0xb6: {  	[dreg:$0x3] =	wrdreg s4  }
0xb7: {  	[dreg:$0x4] =	wrdreg s17  }
0xb8: {  	[dreg:$0x5] =	wrdreg s18  }
0xb9: {  	[dreg:$0x6] =	wrdreg $0x9  }
0xba: {  	_ =	task.clear_ibuf [dreg:s10], $0x7FFFF;
	_ =	strace $0x90000046  }
0xbb: {  	s29 =	simm.s32 $0x9;
	_ =	strace $0x80000048  }
0xbc: {  	_ =	swait.ge [sflag:s29], $0x1  }
0xbd: {  	[sflag:s29] =	ssyncadd.s32 $0xFFFFFFFF  }
0xbe: {  	_ =	strace $0x90000048  }
0xbf: {  	_ =	sfence  }
0xc0: {  	s30 =	sld [smem:$0x0];
	_ =	sdelay $0x2  }
0xc1: {  	s31 =	sshll.u32 s1, $0xD;
	s1 =	sshrl.u32 s1, $0x2  }
0xc2: {  	s3 =	sand.u32 $0x4000, s31;
	s1 =	sadd.s32 s1, s30  }
0xc3: {  	s0 =	sor.u32 s3, s0;
	s1 =	sshll.u32 s1, $0x11  }
0xc4: {  	s0 =	sor.u32 s1, s0  }
0xc5: {  	s0 =	sadd.s32 $0x8F2B, s0  }
0xc6: {  	[sflag:s0] =	ssyncadd.remote.s32 $0x1  }
0xc7: {  	_ =	sfence.sel $0xFFFF  }
0xc8: {  	[dreg:$0x0] =	wrdreg $0xFFFFFFFF;
	(pc) =	sbr.abs _section_cstart, $3  }
0xc9: {  	[dreg:$0x1] =	wrdreg $0xFFFFFFFF  }
0xca: {  	_ =	task.clear_ibuf [dreg:s10], $0x2FFFF;
	_ =	strace $0x9FFFFFFF  }
0xcb: {  	(tm) =	ssettm $0x7FFFFFFF  }
tec
execute0_lowered:
.L_overlay_start_1:
0x0: {  	(tag) =	ssettag $0x1  }
0x1: {  	s1 =	srdreg.scid;
	s0 =	stileid.u32  }
0x2: {  	s1 =	sand.u32 $0x1, s1;
	s2 =	sshll.u32 s0, $0x1  }
0x3: {  	s18 =	rddreg [dreg:$0x1];
	s21 =	sor.u32 s1, s2  }
0x4: {  	s20 =	rddreg [dreg:$0x3];
	s22 =	smul.u32 $0x3E800, s21  }
0x5: {  	s26 =	rddreg [dreg:$0x2];
	s1 =	ssub.s32 $0x2, s1;
	s24 =	smul.u32 $0x7D00, s21  }
0x6: {  	[dreg:$0x6] =	wrdreg s21;
	s16 =	sshrl.u32 s1, $0x1;
	s3 =	sadd.s32 $0xFF9EBC00, s22  }
0x7: {  	p1 =	slt.u32 s21, $0x19;
	s4 =	sadd.s32 $0xFFF3CB00, s24;
	s19 =	sadd.s32 $0xFF9F8400, s22  }
0x8: {  	s17 =	ssub.s32 s1, s16;
	s8 =	sadd.s32 $0xFF9FE800, s22;
	s10 =	sadd.s32 $0xFFA04C00, s22  }
0x9: {  	s6 =	sadd.s32 $0xFF9F2000, s22;
	s12 =	sadd.s32 $0xFFA0B000, s22;
	s14 =	sadd.s32 $0xFFA11400, s22  }
0xa: {  	[dreg:$0x5] =	wrdreg s17;
	s16 =	sadd.s32 $0xFFA17800, s22;
	s25 =	sadd.s32 $0xFFA1DC00, s22  }
0xb: {  	s22 =	sshrl.u32 s22, $0x3;
	s5 =	sshrl.u32 s3, $0x3;
	s1 =	sadd.s32 s18, s4  }
0xc: {  	s3 =	sadd.s32 s20, s4;
	s7 =	sshrl.u32 s6, $0x3;
	s9 =	sshrl.u32 s19, $0x3  }
0xd: {  	s11 =	sshrl.u32 s8, $0x3;
	s13 =	sshrl.u32 s10, $0x3;
	s15 =	sshrl.u32 s12, $0x3  }
0xe: {  	s17 =	sshrl.u32 s14, $0x3;
	s19 =	sshrl.u32 s16, $0x3;
	s25 =	sshrl.u32 s25, $0x3  }
0xf: {  	s29 =	sadd.s32 $0xC80, s22;
	s21 =	sadd.s32 $0x1900, s22;
	s2 =	sadd.s32 s18, s5  }
0x10: {  	s4 =	sadd.s32 s18, s7;
	s5 =	sadd.s32 s20, s5;
	s6 =	sadd.s32 s18, s9  }
0x11: {  	s7 =	sadd.s32 s20, s7;
	s8 =	sadd.s32 s18, s11;
	s9 =	sadd.s32 s20, s9  }
0x12: {  	s10 =	sadd.s32 s18, s13;
	s11 =	sadd.s32 s20, s11;
	s12 =	sadd.s32 s18, s15  }
0x13: {  	s13 =	sadd.s32 s20, s13;
	s14 =	sadd.s32 s18, s17;
	s15 =	sadd.s32 s20, s15  }
0x14: {  	s16 =	sadd.s32 s18, s19;
	s17 =	sadd.s32 s20, s17;
	s18 =	sadd.s32 s18, s25  }
0x15: {  	s19 =	sadd.s32 s20, s19;
	s20 =	sadd.s32 s20, s25;
	s25 =	rddreg [dreg:$0x0]  }
0x16: {  	s30 =	sadd.s32 $0x2580, s22;
	s23 =	sadd.s32 $0x5780, s22;
	s28 =	sadd.s32 s25, s24  }
0x17: {  	s0 =	sadd.s32 $0x6400, s22;
	s24 =	sadd.s32 s26, s24;
	s1 =	smov.u32 @p1 s28  }
0x18: {  	s28 =	sadd.s32 s25, s29;
	s3 =	smov.u32 @p1 s24;
	s24 =	sadd.s32 s26, s21  }
0x19: {  	s2 =	smov.u32 @p1 s28;
	s28 =	sadd.s32 s26, s29;
	s29 =	sadd.s32 s25, s21  }
0x1a: {  	s7 =	smov.u32 @p1 s24;
	s5 =	smov.u32 @p1 s28;
	s28 =	sadd.s32 s25, s30  }
0x1b: {  	s21 =	sadd.s32 s25, s23;
	s6 =	smov.u32 @p1 s28;
	s28 =	sadd.s32 $0x3200, s22  }
0x1c: {  	s4 =	smov.u32 @p1 s29;
	s29 =	sadd.s32 $0x3E80, s22;
	s24 =	sadd.s32 s25, s28  }
0x1d: {  	s8 =	smov.u32 @p1 s24;
	s24 =	sadd.s32 s26, s30;
	s30 =	sadd.s32 s25, s29  }
0x1e: {  	s14 =	smov.u32 @p1 s21;
	s9 =	smov.u32 @p1 s24;
	s10 =	smov.u32 @p1 s30  }
0x1f: {  	s24 =	sadd.s32 s26, s28;
	s28 =	sadd.s32 s26, s29;
	s29 =	sadd.s32 $0x4B00, s22  }
0x20: {  	s30 =	sadd.s32 s26, s23;
	s22 =	sadd.s32 $0x7080, s22;
	s23 =	sadd.s32 s25, s0  }
0x21: {  	s0 =	sadd.s32 s26, s0;
	s31 =	sadd.s32 s25, s29;
	s29 =	sadd.s32 s26, s29  }
0x22: {  	s25 =	sadd.s32 s25, s22;
	s26 =	sadd.s32 s26, s22;
	s11 =	smov.u32 @p1 s24  }
0x23: {  	s13 =	smov.u32 @p1 s28;
	s22 =	simm.s32 $0x0;
	s24 =	rddreg [dreg:$0x6]  }
0x24: {  	s16 =	smov.u32 @p1 s23;
	s17 =	smov.u32 @p1 s30;
	s19 =	smov.u32 @p1 s0  }
0x25: {  	s28 =	simm.s32 $0x2;
	s12 =	smov.u32 @p1 s31;
	s15 =	smov.u32 @p1 s29  }
.Ltmp0:
0x26: {  	[smem:$0x7FF] =	sst s22;
	s21 =	sadd.s32 $0xFFFFFFE7, s24;
	(pc) =	sbr.rel .LBB2_1-.Ltmp0, $4  }
0x27: {  	s18 =	smov.u32 @p1 s25;
	s20 =	smov.u32 @p1 s26;
	s24 =	simm.s32 $0x6400  }
0x28: {  	p0 =	sgt.u32 @!p1 s21, $0x4;
	s21 =	rddreg [dreg:$0x4];
	_ =	strace $0x80000047  }
0x29: {  	s25 =	simm.s32 $0x1;
	s26 =	simm.s32 $0x3;
	s31 =	rddreg [dreg:$0x5]  }
0x2a: {  	s29 =	simm.s32 $0x4;
	p0 =	por p1, !p0;
	s23 =	smax.u32 s31, $0x1  }
.LBB2_3:
0x2b: {  	s23 =	sadd.s32 $0xFFFFFFFF, s23  }
0x2c: {  	p1 =	sne.s32 s23, $0x0  }
.Ltmp1:
0x2d: {  	_ = 	snop;
	(pc) =	sbr.rel @!p1 .LBB2_4-.Ltmp1, $1  }
0x2e: {  	_ =	sdelay $0x3  }
.LBB2_1:
.Ltmp2:
0x2f: {  	(pc) =	sbr.rel @!p0 .LBB2_3-.Ltmp2, $1  }
0x30: {  	_ =	sdelay $0x3  }
0x31: {  	[tilespmem:s22], [sflag:$0x1] =	stream.linear.gather [hbm4b:s1+s22], $0x6400, $0x38;
	[tilespmem:$0xC800] =	vst v63  }
0x32: {  	_ = 	snop  }
0x33: {  	[tilespmem:s24], [sflag:$0x2] =	stream.linear.gather [hbm4b:s2+s22], $0x6400, $0x38;
	[tilespmem:$0xC800] =	vst v63  }
0x34: {  	_ =	swait.ge [sflag:s25], $0x6400  }
0x35: {  	[sflag:s25] =	ssyncset.done $0x0  }
0x36: {  	[sflag:s25] =	ssyncadd.s32 $0xFFFF9C00  }
0x37: {  	[hbm4b:s3+s22] =	stream.linear.scatter [tilespmem:s22], [sflag:$0x3], $0x6400, $0x38;
	[tilespmem:$0xC800] =	vst v63  }
0x38: {  	_ =	swait.ge [sflag:s26], $0x6400  }
0x39: {  	[sflag:s26] =	ssyncset.done $0x0  }
0x3a: {  	[sflag:s26] =	ssyncadd.s32 $0xFFFF9C00  }
0x3b: {  	[tilespmem:s22], [sflag:$0x1] =	stream.linear.gather [hbm4b:s4+s22], $0x6400, $0x38;
	[tilespmem:$0xC800] =	vst v63  }
0x3c: {  	_ =	swait.ge [sflag:s28], $0x6400  }
0x3d: {  	[sflag:s28] =	ssyncset.done $0x0  }
0x3e: {  	[sflag:s28] =	ssyncadd.s32 $0xFFFF9C00  }
0x3f: {  	[hbm4b:s5+s22] =	stream.linear.scatter [tilespmem:s24], [sflag:$0x4], $0x6400, $0x38;
	[tilespmem:$0xC800] =	vst v63  }
0x40: {  	_ =	swait.ge [sflag:s29], $0x6400  }
0x41: {  	[sflag:s29] =	ssyncset.done $0x0  }
0x42: {  	[sflag:s29] =	ssyncadd.s32 $0xFFFF9C00  }
0x43: {  	[tilespmem:s24], [sflag:$0x2] =	stream.linear.gather [hbm4b:s6+s22], $0x6400, $0x38;
	[tilespmem:$0xC800] =	vst v63  }
0x44: {  	_ =	swait.ge [sflag:s25], $0x6400  }
0x45: {  	[sflag:s25] =	ssyncset.done $0x0  }
0x46: {  	[sflag:s25] =	ssyncadd.s32 $0xFFFF9C00  }
0x47: {  	[hbm4b:s7+s22] =	stream.linear.scatter [tilespmem:s22], [sflag:$0x3], $0x6400, $0x38;
	[tilespmem:$0xC800] =	vst v63  }
0x48: {  	_ =	swait.ge [sflag:s26], $0x6400  }
0x49: {  	[sflag:s26] =	ssyncset.done $0x0  }
0x4a: {  	[sflag:s26] =	ssyncadd.s32 $0xFFFF9C00  }
0x4b: {  	[tilespmem:s22], [sflag:$0x1] =	stream.linear.gather [hbm4b:s8+s22], $0x6400, $0x38;
	[tilespmem:$0xC800] =	vst v63  }
0x4c: {  	_ =	swait.ge [sflag:s28], $0x6400  }
0x4d: {  	[sflag:s28] =	ssyncset.done $0x0  }
0x4e: {  	[sflag:s28] =	ssyncadd.s32 $0xFFFF9C00  }
0x4f: {  	[hbm4b:s9+s22] =	stream.linear.scatter [tilespmem:s24], [sflag:$0x4], $0x6400, $0x38;
	[tilespmem:$0xC800] =	vst v63  }
0x50: {  	_ =	swait.ge [sflag:s29], $0x6400  }
0x51: {  	[sflag:s29] =	ssyncset.done $0x0  }
0x52: {  	[sflag:s29] =	ssyncadd.s32 $0xFFFF9C00  }
0x53: {  	[tilespmem:s24], [sflag:$0x2] =	stream.linear.gather [hbm4b:s10+s22], $0x6400, $0x38;
	[tilespmem:$0xC800] =	vst v63  }
0x54: {  	_ =	swait.ge [sflag:s25], $0x6400  }
0x55: {  	[sflag:s25] =	ssyncset.done $0x0  }
0x56: {  	[sflag:s25] =	ssyncadd.s32 $0xFFFF9C00  }
0x57: {  	[hbm4b:s11+s22] =	stream.linear.scatter [tilespmem:s22], [sflag:$0x3], $0x6400, $0x38;
	[tilespmem:$0xC800] =	vst v63  }
0x58: {  	_ =	swait.ge [sflag:s26], $0x6400  }
0x59: {  	[sflag:s26] =	ssyncset.done $0x0  }
0x5a: {  	[sflag:s26] =	ssyncadd.s32 $0xFFFF9C00  }
0x5b: {  	[tilespmem:s22], [sflag:$0x1] =	stream.linear.gather [hbm4b:s12+s22], $0x6400, $0x38;
	[tilespmem:$0xC800] =	vst v63  }
0x5c: {  	_ =	swait.ge [sflag:s28], $0x6400  }
0x5d: {  	[sflag:s28] =	ssyncset.done $0x0  }
0x5e: {  	[sflag:s28] =	ssyncadd.s32 $0xFFFF9C00  }
0x5f: {  	[hbm4b:s13+s22] =	stream.linear.scatter [tilespmem:s24], [sflag:$0x4], $0x6400, $0x38;
	[tilespmem:$0xC800] =	vst v63  }
0x60: {  	_ =	swait.ge [sflag:s29], $0x6400  }
0x61: {  	[sflag:s29] =	ssyncset.done $0x0  }
0x62: {  	[sflag:s29] =	ssyncadd.s32 $0xFFFF9C00  }
0x63: {  	[tilespmem:s24], [sflag:$0x2] =	stream.linear.gather [hbm4b:s14+s22], $0x6400, $0x38;
	[tilespmem:$0xC800] =	vst v63  }
0x64: {  	_ =	swait.ge [sflag:s25], $0x6400  }
0x65: {  	[sflag:s25] =	ssyncset.done $0x0  }
0x66: {  	[sflag:s25] =	ssyncadd.s32 $0xFFFF9C00  }
0x67: {  	[hbm4b:s15+s22] =	stream.linear.scatter [tilespmem:s22], [sflag:$0x3], $0x6400, $0x38;
	[tilespmem:$0xC800] =	vst v63  }
0x68: {  	_ =	swait.ge [sflag:s26], $0x6400  }
0x69: {  	[sflag:s26] =	ssyncset.done $0x0  }
0x6a: {  	[sflag:s26] =	ssyncadd.s32 $0xFFFF9C00  }
0x6b: {  	[tilespmem:s22], [sflag:$0x1] =	stream.linear.gather [hbm4b:s16+s22], $0x6400, $0x38;
	[tilespmem:$0xC800] =	vst v63  }
0x6c: {  	_ =	swait.ge [sflag:s28], $0x6400  }
0x6d: {  	[sflag:s28] =	ssyncset.done $0x0  }
0x6e: {  	[sflag:s28] =	ssyncadd.s32 $0xFFFF9C00  }
0x6f: {  	[hbm4b:s17+s22] =	stream.linear.scatter [tilespmem:s24], [sflag:$0x4], $0x6400, $0x38;
	[tilespmem:$0xC800] =	vst v63  }
0x70: {  	_ =	swait.ge [sflag:s29], $0x6400  }
0x71: {  	[sflag:s29] =	ssyncset.done $0x0  }
0x72: {  	[sflag:s29] =	ssyncadd.s32 $0xFFFF9C00  }
0x73: {  	[tilespmem:s24], [sflag:$0x2] =	stream.linear.gather [hbm4b:s18+s22], $0x6400, $0x38;
	[tilespmem:$0xC800] =	vst v63  }
0x74: {  	_ =	swait.ge [sflag:s25], $0x6400  }
0x75: {  	[sflag:s25] =	ssyncset.done $0x0  }
0x76: {  	[sflag:s25] =	ssyncadd.s32 $0xFFFF9C00  }
0x77: {  	[hbm4b:s19+s22] =	stream.linear.scatter [tilespmem:s22], [sflag:$0x3], $0x6400, $0x38;
	[tilespmem:$0xC800] =	vst v63  }
0x78: {  	_ =	swait.ge [sflag:s28], $0x6400  }
0x79: {  	[sflag:s28] =	ssyncset.done $0x0  }
0x7a: {  	[sflag:s28] =	ssyncadd.s32 $0xFFFF9C00  }
0x7b: {  	[hbm4b:s20+s22] =	stream.linear.scatter [tilespmem:s24], [sflag:$0x4], $0x6400, $0x38;
	[tilespmem:$0xC800] =	vst v63  }
0x7c: {  	_ =	swait.ge [sflag:s26], $0x6400  }
.Ltmp3:
0x7d: {  	[sflag:s26] =	ssyncset.done $0x0;
	(pc) =	sbr.rel .LBB2_3-.Ltmp3, $4  }
0x7e: {  	[sflag:s26] =	ssyncadd.s32 $0xFFFF9C00  }
0x7f: {  	_ =	swait.ge [sflag:s29], $0x6400  }
0x80: {  	[sflag:s29] =	ssyncset.done $0x0  }
0x81: {  	[sflag:s29] =	ssyncadd.s32 $0xFFFF9C00  }
.LBB2_4:
0x82: {  	_ =	sfence.sel $0x180000  }
0x83: {  	s0 =	stileid.u32;
	[bflag:$0x0] =	sbarrier.arrive $0xFFFF  }
0x84: {  	p0 =	sne.s32 s0, $0x0;
	_ =	strace $0x90000047  }
0x85: {  	s0 =	sadd.s32 @!p0 $0x100000, s21;
	[bflag:$0x2] =	sbarrier.arrive $0xFFFF  }
0x86: {  	[sflag:s0] =	ssyncadd.tile.s32 @!p0 $0x1;
	_ =	shalt  }
.Lfunc_end2:
_tile_overlayer_lowered:
.L_overlay_start_2:
0x87: {  	(tag) =	ssettag $0x2  }
0x88: {  	s0 =	rddreg [dreg:$0x0];
	s2 =	stileid.u32  }
0x89: {  	s1 =	rddreg [dreg:$0x1];
	p0 =	sne.s32 s2, $0x0  }
0x8a: {  	s3 =	rddreg [dreg:$0x2];
	[bflag:$0x3] =	sbarrier.arrive $0xFFFF;
	s2 =	simm.s32 @!p0 $0x1C05  }
0x8b: {  	[timem:s3], [sflag:s2] =	dma.local @!p0 [hbm:s0], s1  }
0x8c: {  	s0 =	simm.s32 @!p0 $0x5  }
0x8d: {  	_ =	swait.ge @!p0 [sflag:s0], s1  }
0x8e: {  	s1 =	ssub.s32 @!p0 $0x0, s1;
	[sflag:s0] =	ssyncset.done @!p0 $0x0  }
0x8f: {  	[sflag:s0] =	ssyncadd.s32 @!p0 s1  }
0x90: {  	[bflag:$0x3] =	sbarrier.arrive $0xFFFF  }
0x91: {  	_ =	shalt  }

</sc_bundles>
